<compile_context>
chip_gen: v7x
topology: tpu7x:2x2x1
jax: 0.10.2.dev20260603
libtpu: 0.0.44.dev20260713+nightly
codegen_flags: <defaults>
</compile_context>

<pallas_src>
import functools

import jax
import jax.numpy as jnp
from jax import lax
from jax.experimental import pallas as pl
from jax.experimental.pallas import tpu as pltpu
from jax.experimental.pallas import tpu_sc as plsc

B = 16384
N_DENSE = 13
N_SPARSE = 26
VOCAB = 100000
EDIM = 16

NC = 2
NS = 16
NW = NC * NS
CHUNK = 128
TOT_IDX = B * N_SPARSE
TOT_CHUNKS = TOT_IDX // CHUNK
CHUNKS_PER_W = TOT_CHUNKS // NW
KB = 2
NBATCH = CHUNKS_PER_W // KB
BATCH_IDX = KB * CHUNK
STAGE_ROWS = BATCH_IDX * EDIM // 128

TAB_ROWS = N_SPARSE * VOCAB * EDIM // 128
OUT_ROWS = TOT_IDX * EDIM // 128

BLK = 512


def _sc_gather(table128, wsp_flat, grow2d, goff2d, widx2d):
    mesh = plsc.VectorSubcoreMesh(core_axis_name="c", subcore_axis_name="s")

    @functools.partial(
        pl.kernel,
        out_type=[
            jax.ShapeDtypeStruct((OUT_ROWS, 128), jnp.float32),
            jax.ShapeDtypeStruct((TOT_CHUNKS, CHUNK), jnp.float32),
        ],
        mesh=mesh,
        compiler_params=pltpu.CompilerParams(use_tc_tiling_on_sc=False),
        scratch_types=[
            pltpu.VMEM((CHUNKS_PER_W, CHUNK), jnp.int32),
            pltpu.VMEM((CHUNKS_PER_W, CHUNK), jnp.int32),
            pltpu.VMEM((CHUNKS_PER_W, CHUNK), jnp.int32),
            pltpu.VMEM((2, BATCH_IDX, 128), jnp.float32),
            pltpu.VMEM((2, STAGE_ROWS, 128), jnp.float32),
            pltpu.VMEM((2, KB, CHUNK), jnp.float32),
            pltpu.SemaphoreType.DMA((2,)),
            pltpu.SemaphoreType.DMA((2,)),
        ],
    )
    def k(tab_hbm, wsp_hbm, grow_hbm, goff_hbm, widx_hbm, rows_out, wval_out,
          grow_v, goff_v, widx_v, buf, stage, wv, gsem, osem):
        wid = lax.axis_index("s") * NC + lax.axis_index("c")
        base = wid * CHUNKS_PER_W
        pltpu.sync_copy(grow_hbm.at[pl.ds(base, CHUNKS_PER_W)], grow_v)
        pltpu.sync_copy(goff_hbm.at[pl.ds(base, CHUNKS_PER_W)], goff_v)
        pltpu.sync_copy(widx_hbm.at[pl.ds(base, CHUNKS_PER_W)], widx_v)

        def gather_copies(s, p):
            cps = []
            for b in range(KB):
                cps.append(pltpu.make_async_copy(
                    tab_hbm.at[grow_v.at[s * KB + b]],
                    buf.at[p, pl.ds(b * CHUNK, CHUNK)], gsem.at[p]))
                cps.append(pltpu.make_async_copy(
                    wsp_hbm.at[widx_v.at[s * KB + b]],
                    wv.at[p, b], gsem.at[p]))
            return cps

        def out_copies(s, p):
            return [
                pltpu.make_async_copy(
                    stage.at[p],
                    rows_out.at[pl.ds((base + s * KB) * (CHUNK * EDIM // 128),
                                      STAGE_ROWS)],
                    osem.at[p]),
                pltpu.make_async_copy(
                    wv.at[p],
                    wval_out.at[pl.ds(base + s * KB, KB)],
                    osem.at[p]),
            ]

        def extract(s, p):
            def ebody(jj, carry):
                offs = goff_v[s * KB + lax.div(jj, 8),
                              pl.ds(lax.rem(jj, 8) * 16, 16)]
                for kk in range(16):
                    j = jj * 16 + kk
                    stage[p, jj * 2 + kk // 8, pl.ds((kk % 8) * EDIM, EDIM)] = \
                        buf[p, j, pl.ds(offs[kk], EDIM)]
                return carry
            lax.fori_loop(0, BATCH_IDX // 16, ebody, 0)

        for cp in gather_copies(0, 0):
            cp.start()
        for cp in gather_copies(1, 1):
            cp.start()

        def body(s, carry):
            p = lax.rem(s, 2)
            for cp in gather_copies(s, p):
                cp.wait()
            extract(s, p)
            for cp in out_copies(s, p):
                cp.start()

            @pl.when(s + 2 < NBATCH)
            def _():
                for cp in out_copies(s, p):
                    cp.wait()
                for cp in gather_copies(s + 2, p):
                    cp.start()
            return carry

        lax.fori_loop(0, NBATCH, body, 0)
        for tail in (NBATCH - 2, NBATCH - 1):
            for cp in out_copies(tail, tail % 2):
                cp.wait()

    return k(table128, wsp_flat, grow2d, goff2d, widx2d)


def _tc_mlp_kernel(dense_ref, emb_ref, wv_ref, w1d_ref, w1e_ref, b1_ref,
                   w2_ref, b2_ref, wf_ref, bf_ref, wd_ref, out_ref):
    x_d = dense_ref[...]
    x_e = emb_ref[...]
    h = x_d @ w1d_ref[...] + x_e @ w1e_ref[...] + b1_ref[...]
    h = jnp.maximum(h, 0.0)
    h = jnp.maximum(h @ w2_ref[...] + b2_ref[...], 0.0)
    deep = h @ wf_ref[...] + bf_ref[...]
    wide = x_d @ wd_ref[...] + jnp.sum(wv_ref[...], axis=1, keepdims=True)
    out_ref[...] = jax.nn.sigmoid(0.5 * (wide + deep))


def _tc_mlp(dense, emb, wvals, W1, b1, W2, b2, Wf, bf, w_dense):
    W1d = W1[:N_DENSE]
    W1e = W1[N_DENSE:]
    grid = (B // BLK,)
    const = lambda i: (0, 0)
    return pl.pallas_call(
        _tc_mlp_kernel,
        grid=grid,
        in_specs=[
            pl.BlockSpec((BLK, N_DENSE), lambda i: (i, 0)),
            pl.BlockSpec((BLK, N_SPARSE * EDIM), lambda i: (i, 0)),
            pl.BlockSpec((BLK, N_SPARSE), lambda i: (i, 0)),
            pl.BlockSpec((N_DENSE, 64), const),
            pl.BlockSpec((N_SPARSE * EDIM, 64), const),
            pl.BlockSpec((1, 64), const),
            pl.BlockSpec((64, 32), const),
            pl.BlockSpec((1, 32), const),
            pl.BlockSpec((32, 1), const),
            pl.BlockSpec((1, 1), const),
            pl.BlockSpec((N_DENSE, 1), const),
        ],
        out_specs=pl.BlockSpec((BLK, 1), lambda i: (i, 0)),
        out_shape=jax.ShapeDtypeStruct((B, 1), jnp.float32),
        compiler_params=pltpu.CompilerParams(
            dimension_semantics=("parallel",),
        ),
    )(dense, emb, wvals, W1d, W1e, b1.reshape(1, 64), W2, b2.reshape(1, 32),
      Wf, bf.reshape(1, 1), w_dense)


def kernel(inputs, embed_tables, w_sparse, w_dense, W1, b1, W2, b2, Wf, bf):
    dense = inputs[:, :N_DENSE]
    sparse_idx = inputs[:, N_DENSE:].astype(jnp.int32)
    widx = sparse_idx + (jnp.arange(N_SPARSE, dtype=jnp.int32) * VOCAB)[None, :]
    grow2d = (widx >> 3).reshape(TOT_CHUNKS, CHUNK)
    goff2d = ((widx & 7) * EDIM).reshape(TOT_CHUNKS, CHUNK)
    widx2d = widx.reshape(TOT_CHUNKS, CHUNK)

    table128 = embed_tables[:, :VOCAB, :].reshape(TAB_ROWS, 128)
    wsp_flat = w_sparse.reshape(-1)

    rows128, wvals = _sc_gather(table128, wsp_flat, grow2d, goff2d, widx2d)
    emb = rows128.reshape(B, N_SPARSE * EDIM)
    wv = wvals.reshape(B, N_SPARSE)
    return _tc_mlp(dense, emb, wv, W1, b1, W2, b2, Wf, bf, w_dense)

# --- scband reference (transcript-rebuilt; emitter-appended) ---
"""Pipeline reference for scband-wide-deep-76879914598936 (READ-ONLY COPY).

The authoritative reference and input builder live on the scoring server;
editing this copy changes nothing except your own understanding.
"""

import jax, jax.numpy as jnp
import numpy as np

B = 16384
N_DENSE = 13
N_SPARSE = 26
VOCAB = 100000
EDIM = 16
FEATURE_LENGTH = N_SPARSE * VOCAB
D_DEEP = N_DENSE + N_SPARSE * EDIM  # 429


def setup_inputs(seed: int = 0) -> dict:
    key = jax.random.key(seed)
    ks = jax.random.split(key, 12)
    dense = jax.random.normal(ks[0], (B, N_DENSE), dtype=jnp.float32)
    sparse = jax.random.randint(ks[1], (B, N_SPARSE), 0, VOCAB).astype(jnp.float32)
    inputs = jnp.concatenate([dense, sparse], axis=1)
    # stacked embedding tables: input_dim = feat_num + 1 = VOCAB + 1
    embed_tables = jax.random.uniform(ks[2], (N_SPARSE, VOCAB + 1, EDIM), minval=-0.05, maxval=0.05, dtype=jnp.float32)
    w_sparse = jax.random.normal(ks[3], (FEATURE_LENGTH, 1), dtype=jnp.float32) * 0.01
    w_dense = jax.random.normal(ks[4], (N_DENSE, 1), dtype=jnp.float32) * 0.01
    W1 = jax.random.normal(ks[5], (D_DEEP, 64), dtype=jnp.float32) * (1.0 / np.sqrt(D_DEEP))
    b1 = jnp.zeros((64,), dtype=jnp.float32)
    W2 = jax.random.normal(ks[6], (64, 32), dtype=jnp.float32) * (1.0 / np.sqrt(64.0))
    b2 = jnp.zeros((32,), dtype=jnp.float32)
    Wf = jax.random.normal(ks[7], (32, 1), dtype=jnp.float32) * (1.0 / np.sqrt(32.0))
    bf = jnp.zeros((1,), dtype=jnp.float32)
    return {"inputs": inputs, "embed_tables": embed_tables, "w_sparse": w_sparse,
            "w_dense": w_dense, "W1": W1, "b1": b1, "W2": W2, "b2": b2, "Wf": Wf, "bf": bf}


def reference(inputs, embed_tables, w_sparse, w_dense, W1, b1, W2, b2, Wf, bf):
    # _get_input: wide and deep feature lists both default to all features
    dense = inputs[:, :N_DENSE]
    sparse_idx = inputs[:, N_DENSE:].astype(jnp.int32)  # [B, 26]
    # deep side: per-field embedding lookup, concat along last dim
    embeds = [jnp.take(embed_tables[i], sparse_idx[:, i], axis=0) for i in range(N_SPARSE)]
    deep_sparse_embed = jnp.concatenate(embeds, axis=-1)  # [B, 416]
    # wide side: Linear over offset sparse ids + dense linear term
    index_mapping = (jnp.arange(N_SPARSE, dtype=jnp.int32) * VOCAB)[None, :]
    wide_idx = sparse_idx + index_mapping  # [B, 26]
    wide_out = dense @ w_dense + jnp.sum(jnp.take(w_sparse, wide_idx, axis=0), axis=1)  # [B, 1]
    # deep DNN (dropout inactive at inference)
    deep_in = jnp.concatenate([dense, deep_sparse_embed], axis=-1)  # [B, 429]
    h = jax.nn.relu(deep_in @ W1 + b1)
    h = jax.nn.relu(h @ W2 + b2)
    deep_out = h @ Wf + bf  # [B, 1]
    return jax.nn.sigmoid(0.5 * wide_out + 0.5 * deep_out)

if __name__ == "__main__":
    import jax
    _d = setup_inputs()
    print(jax.jit(kernel)(*tuple(_d.values())))

</pallas_src>

<mosaic_0001>
#map = affine_map<(d0, d1) -> (0, 0)>
#map1 = affine_map<(d0, d1) -> (0)>
module attributes {stable_mosaic.version = 14 : i64} {
  func.func @k(%arg0: i32, %arg1: i32, %arg2: memref<325000x128xf32, #tpu.memory_space<hbm>>, %arg3: memref<2600000xf32, #tpu.memory_space<hbm>>, %arg4: memref<3328x128xi32, #tpu.memory_space<hbm>>, %arg5: memref<3328x128xi32, #tpu.memory_space<hbm>>, %arg6: memref<3328x128xi32, #tpu.memory_space<hbm>>, %arg7: memref<53248x128xf32, #tpu.memory_space<hbm>>, %arg8: memref<3328x128xf32, #tpu.memory_space<hbm>>, %arg9: memref<104x128xi32, #tpu.memory_space<vmem>>, %arg10: memref<104x128xi32, #tpu.memory_space<vmem>>, %arg11: memref<104x128xi32, #tpu.memory_space<vmem>>, %arg12: memref<2x256x128xf32, #tpu.memory_space<vmem>>, %arg13: memref<2x32x128xf32, #tpu.memory_space<vmem>>, %arg14: memref<2x2x128xf32, #tpu.memory_space<vmem>>, %arg15: memref<2x!tpu.dma_semaphore, #tpu.memory_space<semaphore_mem>>, %arg16: memref<2x!tpu.dma_semaphore, #tpu.memory_space<semaphore_mem>>) attributes {dimension_semantics = [#tpu.dimension_semantics<core_parallel>, #tpu.dimension_semantics<subcore_parallel>], iteration_bounds = array<i64: 2, 16>, scalar_prefetch = 0 : i64, scratch_operands = 8 : i64, tpu.core_type = #tpu.core_type<sc_vector_subcore>, window_params = [{transform_indices = #map}, {transform_indices = #map1}, {transform_indices = #map}, {transform_indices = #map}, {transform_indices = #map}, {transform_indices = #map}, {transform_indices = #map}]} {
    %mul3A = arith.constant 2 : i32
    %mul3A_0 = arith.muli %arg1, %mul3A : i32
    %add3A = arith.addi %mul3A_0, %arg0 : i32
    %mul3A_1 = arith.constant 104 : i32
    %mul3A_2 = arith.muli %add3A, %mul3A_1 : i32
    "tpu.region"() ({
      %run_scoped3A = tpu.sem_alloc : memref<!tpu.dma_semaphore, #tpu.memory_space<semaphore_mem>>
      %dma_start3A_198 = arith.constant 0 : i32
      %dma_start3A_199 = tpu.memref_slice %arg4[%mul3A_2, %dma_start3A_198] : memref<3328x128xi32, #tpu.memory_space<hbm>> -> memref<104x128xi32, #tpu.memory_space<hbm>>
      %dma_start3A_200 = arith.constant 0 : i32
      %dma_start3A_201 = tpu.memref_slice %arg4[%mul3A_2, %dma_start3A_200] : memref<3328x128xi32, #tpu.memory_space<hbm>> -> memref<104x128xi32, #tpu.memory_space<hbm>>
      tpu.enqueue_dma source(%dma_start3A_201 : memref<104x128xi32, #tpu.memory_space<hbm>>) target(%arg9 : memref<104x128xi32, #tpu.memory_space<vmem>>) target_semaphore(%run_scoped3A : memref<!tpu.dma_semaphore, #tpu.memory_space<semaphore_mem>>)
      %dma_wait3A_202 = arith.constant 0 : i32
      %dma_wait3A_203 = tpu.memref_slice %arg4[%mul3A_2, %dma_wait3A_202] : memref<3328x128xi32, #tpu.memory_space<hbm>> -> memref<104x128xi32, #tpu.memory_space<hbm>>
      %dma_wait3A_204 = arith.constant 0 : i32
      %dma_wait3A_205 = tpu.memref_slice %arg4[%mul3A_2, %dma_wait3A_204] : memref<3328x128xi32, #tpu.memory_space<hbm>> -> memref<104x128xi32, #tpu.memory_space<hbm>>
      tpu.wait_dma2 semaphore(%run_scoped3A : memref<!tpu.dma_semaphore, #tpu.memory_space<semaphore_mem>>) src(%dma_wait3A_205 : memref<104x128xi32, #tpu.memory_space<hbm>>) dst(%arg9 : memref<104x128xi32, #tpu.memory_space<vmem>>)
      tpu.yield
    }) : () -> ()
    "tpu.region"() ({
      %run_scoped3A = tpu.sem_alloc : memref<!tpu.dma_semaphore, #tpu.memory_space<semaphore_mem>>
      %dma_start3A_198 = arith.constant 0 : i32
      %dma_start3A_199 = tpu.memref_slice %arg5[%mul3A_2, %dma_start3A_198] : memref<3328x128xi32, #tpu.memory_space<hbm>> -> memref<104x128xi32, #tpu.memory_space<hbm>>
      %dma_start3A_200 = arith.constant 0 : i32
      %dma_start3A_201 = tpu.memref_slice %arg5[%mul3A_2, %dma_start3A_200] : memref<3328x128xi32, #tpu.memory_space<hbm>> -> memref<104x128xi32, #tpu.memory_space<hbm>>
      tpu.enqueue_dma source(%dma_start3A_201 : memref<104x128xi32, #tpu.memory_space<hbm>>) target(%arg10 : memref<104x128xi32, #tpu.memory_space<vmem>>) target_semaphore(%run_scoped3A : memref<!tpu.dma_semaphore, #tpu.memory_space<semaphore_mem>>)
      %dma_wait3A_202 = arith.constant 0 : i32
      %dma_wait3A_203 = tpu.memref_slice %arg5[%mul3A_2, %dma_wait3A_202] : memref<3328x128xi32, #tpu.memory_space<hbm>> -> memref<104x128xi32, #tpu.memory_space<hbm>>
      %dma_wait3A_204 = arith.constant 0 : i32
      %dma_wait3A_205 = tpu.memref_slice %arg5[%mul3A_2, %dma_wait3A_204] : memref<3328x128xi32, #tpu.memory_space<hbm>> -> memref<104x128xi32, #tpu.memory_space<hbm>>
      tpu.wait_dma2 semaphore(%run_scoped3A : memref<!tpu.dma_semaphore, #tpu.memory_space<semaphore_mem>>) src(%dma_wait3A_205 : memref<104x128xi32, #tpu.memory_space<hbm>>) dst(%arg10 : memref<104x128xi32, #tpu.memory_space<vmem>>)
      tpu.yield
    }) : () -> ()
    "tpu.region"() ({
      %run_scoped3A = tpu.sem_alloc : memref<!tpu.dma_semaphore, #tpu.memory_space<semaphore_mem>>
      %dma_start3A_198 = arith.constant 0 : i32
      %dma_start3A_199 = tpu.memref_slice %arg6[%mul3A_2, %dma_start3A_198] : memref<3328x128xi32, #tpu.memory_space<hbm>> -> memref<104x128xi32, #tpu.memory_space<hbm>>
      %dma_start3A_200 = arith.constant 0 : i32
      %dma_start3A_201 = tpu.memref_slice %arg6[%mul3A_2, %dma_start3A_200] : memref<3328x128xi32, #tpu.memory_space<hbm>> -> memref<104x128xi32, #tpu.memory_space<hbm>>
      tpu.enqueue_dma source(%dma_start3A_201 : memref<104x128xi32, #tpu.memory_space<hbm>>) target(%arg11 : memref<104x128xi32, #tpu.memory_space<vmem>>) target_semaphore(%run_scoped3A : memref<!tpu.dma_semaphore, #tpu.memory_space<semaphore_mem>>)
      %dma_wait3A_202 = arith.constant 0 : i32
      %dma_wait3A_203 = tpu.memref_slice %arg6[%mul3A_2, %dma_wait3A_202] : memref<3328x128xi32, #tpu.memory_space<hbm>> -> memref<104x128xi32, #tpu.memory_space<hbm>>
      %dma_wait3A_204 = arith.constant 0 : i32
      %dma_wait3A_205 = tpu.memref_slice %arg6[%mul3A_2, %dma_wait3A_204] : memref<3328x128xi32, #tpu.memory_space<hbm>> -> memref<104x128xi32, #tpu.memory_space<hbm>>
      tpu.wait_dma2 semaphore(%run_scoped3A : memref<!tpu.dma_semaphore, #tpu.memory_space<semaphore_mem>>) src(%dma_wait3A_205 : memref<104x128xi32, #tpu.memory_space<hbm>>) dst(%arg11 : memref<104x128xi32, #tpu.memory_space<vmem>>)
      tpu.yield
    }) : () -> ()
    %dma_start3A = arith.constant 0 : i32
    %dma_start3A_3 = arith.constant 0 : i32
    %dma_start3A_4 = arith.constant 0 : i32
    %dma_start3A_5 = arith.constant 0 : i32
    %dma_start3A_6 = arith.constant 0 : i32
    %dma_start3A_7 = tpu.memref_slice %arg12[%dma_start3A_3, %dma_start3A_5, %dma_start3A_6] : memref<2x256x128xf32, #tpu.memory_space<vmem>> -> memref<1x128x128xf32, #tpu.memory_space<vmem>>
    %dma_start3A_8 = tpu.memref_squeeze %dma_start3A_7 : memref<1x128x128xf32, #tpu.memory_space<vmem>> -> memref<128x128xf32, #tpu.memory_space<vmem>>
    %dma_start3A_9 = arith.constant 0 : i32
    %dma_start3A_10 = tpu.memref_slice %arg9[%dma_start3A, %dma_start3A_9] : memref<104x128xi32, #tpu.memory_space<vmem>> -> memref<1x128xi32, #tpu.memory_space<vmem>>
    %dma_start3A_11 = tpu.memref_squeeze %dma_start3A_10 : memref<1x128xi32, #tpu.memory_space<vmem>> -> memref<128xi32, #tpu.memory_space<vmem>>
    %dma_start3A_12 = arith.constant 0 : i32
    %dma_start3A_13 = arith.constant 0 : i32
    %dma_start3A_14 = tpu.memref_slice %arg2[%dma_start3A_12, %dma_start3A_13] : memref<325000x128xf32, #tpu.memory_space<hbm>> -> memref<325000x128xf32, #tpu.memory_space<hbm>>
    %dma_start3A_15 = tpu.memref_slice %arg15[%dma_start3A_4] : memref<2x!tpu.dma_semaphore, #tpu.memory_space<semaphore_mem>> -> memref<1x!tpu.dma_semaphore, #tpu.memory_space<semaphore_mem>>
    %dma_start3A_16 = tpu.memref_squeeze %dma_start3A_15 : memref<1x!tpu.dma_semaphore, #tpu.memory_space<semaphore_mem>> -> memref<!tpu.dma_semaphore, #tpu.memory_space<semaphore_mem>>
    tpu.enqueue_indirect_dma source(%dma_start3A_14 : memref<325000x128xf32, #tpu.memory_space<hbm>>) target(%dma_start3A_8 : memref<128x128xf32, #tpu.memory_space<vmem>>) offsets(%dma_start3A_11 : memref<128xi32, #tpu.memory_space<vmem>>) semaphore(%dma_start3A_16 : memref<!tpu.dma_semaphore, #tpu.memory_space<semaphore_mem>>)
    %dma_start3A_17 = arith.constant 0 : i32
    %dma_start3A_18 = arith.constant 0 : i32
    %dma_start3A_19 = arith.constant 0 : i32
    %dma_start3A_20 = arith.constant 0 : i32
    %dma_start3A_21 = arith.constant 0 : i32
    %dma_start3A_22 = tpu.memref_slice %arg14[%dma_start3A_18, %dma_start3A_19, %dma_start3A_21] : memref<2x2x128xf32, #tpu.memory_space<vmem>> -> memref<1x1x128xf32, #tpu.memory_space<vmem>>
    %dma_start3A_23 = tpu.memref_squeeze %dma_start3A_22 : memref<1x1x128xf32, #tpu.memory_space<vmem>> -> memref<128xf32, #tpu.memory_space<vmem>>
    %dma_start3A_24 = arith.constant 0 : i32
    %dma_start3A_25 = tpu.memref_slice %arg11[%dma_start3A_17, %dma_start3A_24] : memref<104x128xi32, #tpu.memory_space<vmem>> -> memref<1x128xi32, #tpu.memory_space<vmem>>
    %dma_start3A_26 = tpu.memref_squeeze %dma_start3A_25 : memref<1x128xi32, #tpu.memory_space<vmem>> -> memref<128xi32, #tpu.memory_space<vmem>>
    %dma_start3A_27 = arith.constant 0 : i32
    %dma_start3A_28 = tpu.memref_slice %arg3[%dma_start3A_27] : memref<2600000xf32, #tpu.memory_space<hbm>> -> memref<2600000xf32, #tpu.memory_space<hbm>>
    %dma_start3A_29 = tpu.memref_slice %arg15[%dma_start3A_20] : memref<2x!tpu.dma_semaphore, #tpu.memory_space<semaphore_mem>> -> memref<1x!tpu.dma_semaphore, #tpu.memory_space<semaphore_mem>>
    %dma_start3A_30 = tpu.memref_squeeze %dma_start3A_29 : memref<1x!tpu.dma_semaphore, #tpu.memory_space<semaphore_mem>> -> memref<!tpu.dma_semaphore, #tpu.memory_space<semaphore_mem>>
    tpu.enqueue_indirect_dma source(%dma_start3A_28 : memref<2600000xf32, #tpu.memory_space<hbm>>) target(%dma_start3A_23 : memref<128xf32, #tpu.memory_space<vmem>>) offsets(%dma_start3A_26 : memref<128xi32, #tpu.memory_space<vmem>>) semaphore(%dma_start3A_30 : memref<!tpu.dma_semaphore, #tpu.memory_space<semaphore_mem>>)
    %dma_start3A_31 = arith.constant 1 : i32
    %dma_start3A_32 = arith.constant 0 : i32
    %dma_start3A_33 = arith.constant 0 : i32
    %dma_start3A_34 = arith.constant 128 : i32
    %dma_start3A_35 = arith.constant 0 : i32
    %dma_start3A_36 = tpu.memref_slice %arg12[%dma_start3A_32, %dma_start3A_34, %dma_start3A_35] : memref<2x256x128xf32, #tpu.memory_space<vmem>> -> memref<1x128x128xf32, #tpu.memory_space<vmem>>
    %dma_start3A_37 = tpu.memref_squeeze %dma_start3A_36 : memref<1x128x128xf32, #tpu.memory_space<vmem>> -> memref<128x128xf32, #tpu.memory_space<vmem>>
    %dma_start3A_38 = arith.constant 0 : i32
    %dma_start3A_39 = tpu.memref_slice %arg9[%dma_start3A_31, %dma_start3A_38] : memref<104x128xi32, #tpu.memory_space<vmem>> -> memref<1x128xi32, #tpu.memory_space<vmem>>
    %dma_start3A_40 = tpu.memref_squeeze %dma_start3A_39 : memref<1x128xi32, #tpu.memory_space<vmem>> -> memref<128xi32, #tpu.memory_space<vmem>>
    %dma_start3A_41 = arith.constant 0 : i32
    %dma_start3A_42 = arith.constant 0 : i32
    %dma_start3A_43 = tpu.memref_slice %arg2[%dma_start3A_41, %dma_start3A_42] : memref<325000x128xf32, #tpu.memory_space<hbm>> -> memref<325000x128xf32, #tpu.memory_space<hbm>>
    %dma_start3A_44 = tpu.memref_slice %arg15[%dma_start3A_33] : memref<2x!tpu.dma_semaphore, #tpu.memory_space<semaphore_mem>> -> memref<1x!tpu.dma_semaphore, #tpu.memory_space<semaphore_mem>>
    %dma_start3A_45 = tpu.memref_squeeze %dma_start3A_44 : memref<1x!tpu.dma_semaphore, #tpu.memory_space<semaphore_mem>> -> memref<!tpu.dma_semaphore, #tpu.memory_space<semaphore_mem>>
    tpu.enqueue_indirect_dma source(%dma_start3A_43 : memref<325000x128xf32, #tpu.memory_space<hbm>>) target(%dma_start3A_37 : memref<128x128xf32, #tpu.memory_space<vmem>>) offsets(%dma_start3A_40 : memref<128xi32, #tpu.memory_space<vmem>>) semaphore(%dma_start3A_45 : memref<!tpu.dma_semaphore, #tpu.memory_space<semaphore_mem>>)
    %dma_start3A_46 = arith.constant 1 : i32
    %dma_start3A_47 = arith.constant 0 : i32
    %dma_start3A_48 = arith.constant 1 : i32
    %dma_start3A_49 = arith.constant 0 : i32
    %dma_start3A_50 = arith.constant 0 : i32
    %dma_start3A_51 = tpu.memref_slice %arg14[%dma_start3A_47, %dma_start3A_48, %dma_start3A_50] : memref<2x2x128xf32, #tpu.memory_space<vmem>> -> memref<1x1x128xf32, #tpu.memory_space<vmem>>
    %dma_start3A_52 = tpu.memref_squeeze %dma_start3A_51 : memref<1x1x128xf32, #tpu.memory_space<vmem>> -> memref<128xf32, #tpu.memory_space<vmem>>
    %dma_start3A_53 = arith.constant 0 : i32
    %dma_start3A_54 = tpu.memref_slice %arg11[%dma_start3A_46, %dma_start3A_53] : memref<104x128xi32, #tpu.memory_space<vmem>> -> memref<1x128xi32, #tpu.memory_space<vmem>>
    %dma_start3A_55 = tpu.memref_squeeze %dma_start3A_54 : memref<1x128xi32, #tpu.memory_space<vmem>> -> memref<128xi32, #tpu.memory_space<vmem>>
    %dma_start3A_56 = arith.constant 0 : i32
    %dma_start3A_57 = tpu.memref_slice %arg3[%dma_start3A_56] : memref<2600000xf32, #tpu.memory_space<hbm>> -> memref<2600000xf32, #tpu.memory_space<hbm>>
    %dma_start3A_58 = tpu.memref_slice %arg15[%dma_start3A_49] : memref<2x!tpu.dma_semaphore, #tpu.memory_space<semaphore_mem>> -> memref<1x!tpu.dma_semaphore, #tpu.memory_space<semaphore_mem>>
    %dma_start3A_59 = tpu.memref_squeeze %dma_start3A_58 : memref<1x!tpu.dma_semaphore, #tpu.memory_space<semaphore_mem>> -> memref<!tpu.dma_semaphore, #tpu.memory_space<semaphore_mem>>
    tpu.enqueue_indirect_dma source(%dma_start3A_57 : memref<2600000xf32, #tpu.memory_space<hbm>>) target(%dma_start3A_52 : memref<128xf32, #tpu.memory_space<vmem>>) offsets(%dma_start3A_55 : memref<128xi32, #tpu.memory_space<vmem>>) semaphore(%dma_start3A_59 : memref<!tpu.dma_semaphore, #tpu.memory_space<semaphore_mem>>)
    %dma_start3A_60 = arith.constant 2 : i32
    %dma_start3A_61 = arith.constant 1 : i32
    %dma_start3A_62 = arith.constant 1 : i32
    %dma_start3A_63 = arith.constant 0 : i32
    %dma_start3A_64 = arith.constant 0 : i32
    %dma_start3A_65 = tpu.memref_slice %arg12[%dma_start3A_61, %dma_start3A_63, %dma_start3A_64] : memref<2x256x128xf32, #tpu.memory_space<vmem>> -> memref<1x128x128xf32, #tpu.memory_space<vmem>>
    %dma_start3A_66 = tpu.memref_squeeze %dma_start3A_65 : memref<1x128x128xf32, #tpu.memory_space<vmem>> -> memref<128x128xf32, #tpu.memory_space<vmem>>
    %dma_start3A_67 = arith.constant 0 : i32
    %dma_start3A_68 = tpu.memref_slice %arg9[%dma_start3A_60, %dma_start3A_67] : memref<104x128xi32, #tpu.memory_space<vmem>> -> memref<1x128xi32, #tpu.memory_space<vmem>>
    %dma_start3A_69 = tpu.memref_squeeze %dma_start3A_68 : memref<1x128xi32, #tpu.memory_space<vmem>> -> memref<128xi32, #tpu.memory_space<vmem>>
    %dma_start3A_70 = arith.constant 0 : i32
    %dma_start3A_71 = arith.constant 0 : i32
    %dma_start3A_72 = tpu.memref_slice %arg2[%dma_start3A_70, %dma_start3A_71] : memref<325000x128xf32, #tpu.memory_space<hbm>> -> memref<325000x128xf32, #tpu.memory_space<hbm>>
    %dma_start3A_73 = tpu.memref_slice %arg15[%dma_start3A_62] : memref<2x!tpu.dma_semaphore, #tpu.memory_space<semaphore_mem>> -> memref<1x!tpu.dma_semaphore, #tpu.memory_space<semaphore_mem>>
    %dma_start3A_74 = tpu.memref_squeeze %dma_start3A_73 : memref<1x!tpu.dma_semaphore, #tpu.memory_space<semaphore_mem>> -> memref<!tpu.dma_semaphore, #tpu.memory_space<semaphore_mem>>
    tpu.enqueue_indirect_dma source(%dma_start3A_72 : memref<325000x128xf32, #tpu.memory_space<hbm>>) target(%dma_start3A_66 : memref<128x128xf32, #tpu.memory_space<vmem>>) offsets(%dma_start3A_69 : memref<128xi32, #tpu.memory_space<vmem>>) semaphore(%dma_start3A_74 : memref<!tpu.dma_semaphore, #tpu.memory_space<semaphore_mem>>)
    %dma_start3A_75 = arith.constant 2 : i32
    %dma_start3A_76 = arith.constant 1 : i32
    %dma_start3A_77 = arith.constant 0 : i32
    %dma_start3A_78 = arith.constant 1 : i32
    %dma_start3A_79 = arith.constant 0 : i32
    %dma_start3A_80 = tpu.memref_slice %arg14[%dma_start3A_76, %dma_start3A_77, %dma_start3A_79] : memref<2x2x128xf32, #tpu.memory_space<vmem>> -> memref<1x1x128xf32, #tpu.memory_space<vmem>>
    %dma_start3A_81 = tpu.memref_squeeze %dma_start3A_80 : memref<1x1x128xf32, #tpu.memory_space<vmem>> -> memref<128xf32, #tpu.memory_space<vmem>>
    %dma_start3A_82 = arith.constant 0 : i32
    %dma_start3A_83 = tpu.memref_slice %arg11[%dma_start3A_75, %dma_start3A_82] : memref<104x128xi32, #tpu.memory_space<vmem>> -> memref<1x128xi32, #tpu.memory_space<vmem>>
    %dma_start3A_84 = tpu.memref_squeeze %dma_start3A_83 : memref<1x128xi32, #tpu.memory_space<vmem>> -> memref<128xi32, #tpu.memory_space<vmem>>
    %dma_start3A_85 = arith.constant 0 : i32
    %dma_start3A_86 = tpu.memref_slice %arg3[%dma_start3A_85] : memref<2600000xf32, #tpu.memory_space<hbm>> -> memref<2600000xf32, #tpu.memory_space<hbm>>
    %dma_start3A_87 = tpu.memref_slice %arg15[%dma_start3A_78] : memref<2x!tpu.dma_semaphore, #tpu.memory_space<semaphore_mem>> -> memref<1x!tpu.dma_semaphore, #tpu.memory_space<semaphore_mem>>
    %dma_start3A_88 = tpu.memref_squeeze %dma_start3A_87 : memref<1x!tpu.dma_semaphore, #tpu.memory_space<semaphore_mem>> -> memref<!tpu.dma_semaphore, #tpu.memory_space<semaphore_mem>>
    tpu.enqueue_indirect_dma source(%dma_start3A_86 : memref<2600000xf32, #tpu.memory_space<hbm>>) target(%dma_start3A_81 : memref<128xf32, #tpu.memory_space<vmem>>) offsets(%dma_start3A_84 : memref<128xi32, #tpu.memory_space<vmem>>) semaphore(%dma_start3A_88 : memref<!tpu.dma_semaphore, #tpu.memory_space<semaphore_mem>>)
    %dma_start3A_89 = arith.constant 3 : i32
    %dma_start3A_90 = arith.constant 1 : i32
    %dma_start3A_91 = arith.constant 1 : i32
    %dma_start3A_92 = arith.constant 128 : i32
    %dma_start3A_93 = arith.constant 0 : i32
    %dma_start3A_94 = tpu.memref_slice %arg12[%dma_start3A_90, %dma_start3A_92, %dma_start3A_93] : memref<2x256x128xf32, #tpu.memory_space<vmem>> -> memref<1x128x128xf32, #tpu.memory_space<vmem>>
    %dma_start3A_95 = tpu.memref_squeeze %dma_start3A_94 : memref<1x128x128xf32, #tpu.memory_space<vmem>> -> memref<128x128xf32, #tpu.memory_space<vmem>>
    %dma_start3A_96 = arith.constant 0 : i32
    %dma_start3A_97 = tpu.memref_slice %arg9[%dma_start3A_89, %dma_start3A_96] : memref<104x128xi32, #tpu.memory_space<vmem>> -> memref<1x128xi32, #tpu.memory_space<vmem>>
    %dma_start3A_98 = tpu.memref_squeeze %dma_start3A_97 : memref<1x128xi32, #tpu.memory_space<vmem>> -> memref<128xi32, #tpu.memory_space<vmem>>
    %dma_start3A_99 = arith.constant 0 : i32
    %dma_start3A_100 = arith.constant 0 : i32
    %dma_start3A_101 = tpu.memref_slice %arg2[%dma_start3A_99, %dma_start3A_100] : memref<325000x128xf32, #tpu.memory_space<hbm>> -> memref<325000x128xf32, #tpu.memory_space<hbm>>
    %dma_start3A_102 = tpu.memref_slice %arg15[%dma_start3A_91] : memref<2x!tpu.dma_semaphore, #tpu.memory_space<semaphore_mem>> -> memref<1x!tpu.dma_semaphore, #tpu.memory_space<semaphore_mem>>
    %dma_start3A_103 = tpu.memref_squeeze %dma_start3A_102 : memref<1x!tpu.dma_semaphore, #tpu.memory_space<semaphore_mem>> -> memref<!tpu.dma_semaphore, #tpu.memory_space<semaphore_mem>>
    tpu.enqueue_indirect_dma source(%dma_start3A_101 : memref<325000x128xf32, #tpu.memory_space<hbm>>) target(%dma_start3A_95 : memref<128x128xf32, #tpu.memory_space<vmem>>) offsets(%dma_start3A_98 : memref<128xi32, #tpu.memory_space<vmem>>) semaphore(%dma_start3A_103 : memref<!tpu.dma_semaphore, #tpu.memory_space<semaphore_mem>>)
    %dma_start3A_104 = arith.constant 3 : i32
    %dma_start3A_105 = arith.constant 1 : i32
    %dma_start3A_106 = arith.constant 1 : i32
    %dma_start3A_107 = arith.constant 1 : i32
    %dma_start3A_108 = arith.constant 0 : i32
    %dma_start3A_109 = tpu.memref_slice %arg14[%dma_start3A_105, %dma_start3A_106, %dma_start3A_108] : memref<2x2x128xf32, #tpu.memory_space<vmem>> -> memref<1x1x128xf32, #tpu.memory_space<vmem>>
    %dma_start3A_110 = tpu.memref_squeeze %dma_start3A_109 : memref<1x1x128xf32, #tpu.memory_space<vmem>> -> memref<128xf32, #tpu.memory_space<vmem>>
    %dma_start3A_111 = arith.constant 0 : i32
    %dma_start3A_112 = tpu.memref_slice %arg11[%dma_start3A_104, %dma_start3A_111] : memref<104x128xi32, #tpu.memory_space<vmem>> -> memref<1x128xi32, #tpu.memory_space<vmem>>
    %dma_start3A_113 = tpu.memref_squeeze %dma_start3A_112 : memref<1x128xi32, #tpu.memory_space<vmem>> -> memref<128xi32, #tpu.memory_space<vmem>>
    %dma_start3A_114 = arith.constant 0 : i32
    %dma_start3A_115 = tpu.memref_slice %arg3[%dma_start3A_114] : memref<2600000xf32, #tpu.memory_space<hbm>> -> memref<2600000xf32, #tpu.memory_space<hbm>>
    %dma_start3A_116 = tpu.memref_slice %arg15[%dma_start3A_107] : memref<2x!tpu.dma_semaphore, #tpu.memory_space<semaphore_mem>> -> memref<1x!tpu.dma_semaphore, #tpu.memory_space<semaphore_mem>>
    %dma_start3A_117 = tpu.memref_squeeze %dma_start3A_116 : memref<1x!tpu.dma_semaphore, #tpu.memory_space<semaphore_mem>> -> memref<!tpu.dma_semaphore, #tpu.memory_space<semaphore_mem>>
    tpu.enqueue_indirect_dma source(%dma_start3A_115 : memref<2600000xf32, #tpu.memory_space<hbm>>) target(%dma_start3A_110 : memref<128xf32, #tpu.memory_space<vmem>>) offsets(%dma_start3A_113 : memref<128xi32, #tpu.memory_space<vmem>>) semaphore(%dma_start3A_117 : memref<!tpu.dma_semaphore, #tpu.memory_space<semaphore_mem>>)
    %scan3A = arith.constant 0 : i32
    %scan3A_118 = arith.constant 0 : i32
    %scan3A_119 = arith.constant 52 : i32
    %scan3A_120 = arith.addi %scan3A_118, %scan3A_119 : i32
    %scan3A_121 = arith.constant 1 : i32
    scf.for %scan3A_198 = %scan3A_118 to %scan3A_120 step %scan3A_121  : i32 {
      %rem3A = arith.constant 2 : i32
      %rem3A_199 = arith.remsi %scan3A_198, %rem3A : i32
      %mul3A_200 = arith.constant 2 : i32
      %mul3A_201 = arith.muli %scan3A_198, %mul3A_200 : i32
      %add3A_202 = arith.constant 0 : i32
      %add3A_203 = arith.addi %mul3A_201, %add3A_202 : i32
      %mul3A_204 = arith.constant 2 : i32
      %mul3A_205 = arith.muli %scan3A_198, %mul3A_204 : i32
      %add3A_206 = arith.constant 0 : i32
      %add3A_207 = arith.addi %mul3A_205, %add3A_206 : i32
      %mul3A_208 = arith.constant 2 : i32
      %mul3A_209 = arith.muli %scan3A_198, %mul3A_208 : i32
      %add3A_210 = arith.constant 1 : i32
      %add3A_211 = arith.addi %mul3A_209, %add3A_210 : i32
      %mul3A_212 = arith.constant 2 : i32
      %mul3A_213 = arith.muli %scan3A_198, %mul3A_212 : i32
      %add3A_214 = arith.constant 1 : i32
      %add3A_215 = arith.addi %mul3A_213, %add3A_214 : i32
      %dma_wait3A_216 = arith.constant 0 : i32
      %dma_wait3A_217 = arith.constant 0 : i32
      %dma_wait3A_218 = tpu.memref_slice %arg12[%rem3A_199, %dma_wait3A_216, %dma_wait3A_217] : memref<2x256x128xf32, #tpu.memory_space<vmem>> -> memref<1x128x128xf32, #tpu.memory_space<vmem>>
      %dma_wait3A_219 = tpu.memref_squeeze %dma_wait3A_218 : memref<1x128x128xf32, #tpu.memory_space<vmem>> -> memref<128x128xf32, #tpu.memory_space<vmem>>
      %dma_wait3A_220 = arith.constant 0 : i32
      %dma_wait3A_221 = tpu.memref_slice %arg9[%add3A_203, %dma_wait3A_220] : memref<104x128xi32, #tpu.memory_space<vmem>> -> memref<1x128xi32, #tpu.memory_space<vmem>>
      %dma_wait3A_222 = tpu.memref_squeeze %dma_wait3A_221 : memref<1x128xi32, #tpu.memory_space<vmem>> -> memref<128xi32, #tpu.memory_space<vmem>>
      %dma_wait3A_223 = arith.constant 0 : i32
      %dma_wait3A_224 = arith.constant 0 : i32
      %dma_wait3A_225 = tpu.memref_slice %arg2[%dma_wait3A_223, %dma_wait3A_224] : memref<325000x128xf32, #tpu.memory_space<hbm>> -> memref<325000x128xf32, #tpu.memory_space<hbm>>
      %dma_wait3A_226 = tpu.memref_slice %arg15[%rem3A_199] : memref<2x!tpu.dma_semaphore, #tpu.memory_space<semaphore_mem>> -> memref<1x!tpu.dma_semaphore, #tpu.memory_space<semaphore_mem>>
      %dma_wait3A_227 = tpu.memref_squeeze %dma_wait3A_226 : memref<1x!tpu.dma_semaphore, #tpu.memory_space<semaphore_mem>> -> memref<!tpu.dma_semaphore, #tpu.memory_space<semaphore_mem>>
      tpu.wait_indirect_dma semaphore(%dma_wait3A_227 : memref<!tpu.dma_semaphore, #tpu.memory_space<semaphore_mem>>) src(%dma_wait3A_225 : memref<325000x128xf32, #tpu.memory_space<hbm>>) dst(%dma_wait3A_219 : memref<128x128xf32, #tpu.memory_space<vmem>>)
      %dma_wait3A_228 = arith.constant 0 : i32
      %dma_wait3A_229 = arith.constant 0 : i32
      %dma_wait3A_230 = tpu.memref_slice %arg14[%rem3A_199, %dma_wait3A_228, %dma_wait3A_229] : memref<2x2x128xf32, #tpu.memory_space<vmem>> -> memref<1x1x128xf32, #tpu.memory_space<vmem>>
      %dma_wait3A_231 = tpu.memref_squeeze %dma_wait3A_230 : memref<1x1x128xf32, #tpu.memory_space<vmem>> -> memref<128xf32, #tpu.memory_space<vmem>>
      %dma_wait3A_232 = arith.constant 0 : i32
      %dma_wait3A_233 = tpu.memref_slice %arg11[%add3A_207, %dma_wait3A_232] : memref<104x128xi32, #tpu.memory_space<vmem>> -> memref<1x128xi32, #tpu.memory_space<vmem>>
      %dma_wait3A_234 = tpu.memref_squeeze %dma_wait3A_233 : memref<1x128xi32, #tpu.memory_space<vmem>> -> memref<128xi32, #tpu.memory_space<vmem>>
      %dma_wait3A_235 = arith.constant 0 : i32
      %dma_wait3A_236 = tpu.memref_slice %arg3[%dma_wait3A_235] : memref<2600000xf32, #tpu.memory_space<hbm>> -> memref<2600000xf32, #tpu.memory_space<hbm>>
      %dma_wait3A_237 = tpu.memref_slice %arg15[%rem3A_199] : memref<2x!tpu.dma_semaphore, #tpu.memory_space<semaphore_mem>> -> memref<1x!tpu.dma_semaphore, #tpu.memory_space<semaphore_mem>>
      %dma_wait3A_238 = tpu.memref_squeeze %dma_wait3A_237 : memref<1x!tpu.dma_semaphore, #tpu.memory_space<semaphore_mem>> -> memref<!tpu.dma_semaphore, #tpu.memory_space<semaphore_mem>>
      tpu.wait_indirect_dma semaphore(%dma_wait3A_238 : memref<!tpu.dma_semaphore, #tpu.memory_space<semaphore_mem>>) src(%dma_wait3A_236 : memref<2600000xf32, #tpu.memory_space<hbm>>) dst(%dma_wait3A_231 : memref<128xf32, #tpu.memory_space<vmem>>)
      %dma_wait3A_239 = arith.constant 128 : i32
      %dma_wait3A_240 = arith.constant 0 : i32
      %dma_wait3A_241 = tpu.memref_slice %arg12[%rem3A_199, %dma_wait3A_239, %dma_wait3A_240] : memref<2x256x128xf32, #tpu.memory_space<vmem>> -> memref<1x128x128xf32, #tpu.memory_space<vmem>>
      %dma_wait3A_242 = tpu.memref_squeeze %dma_wait3A_241 : memref<1x128x128xf32, #tpu.memory_space<vmem>> -> memref<128x128xf32, #tpu.memory_space<vmem>>
      %dma_wait3A_243 = arith.constant 0 : i32
      %dma_wait3A_244 = tpu.memref_slice %arg9[%add3A_211, %dma_wait3A_243] : memref<104x128xi32, #tpu.memory_space<vmem>> -> memref<1x128xi32, #tpu.memory_space<vmem>>
      %dma_wait3A_245 = tpu.memref_squeeze %dma_wait3A_244 : memref<1x128xi32, #tpu.memory_space<vmem>> -> memref<128xi32, #tpu.memory_space<vmem>>
      %dma_wait3A_246 = arith.constant 0 : i32
      %dma_wait3A_247 = arith.constant 0 : i32
      %dma_wait3A_248 = tpu.memref_slice %arg2[%dma_wait3A_246, %dma_wait3A_247] : memref<325000x128xf32, #tpu.memory_space<hbm>> -> memref<325000x128xf32, #tpu.memory_space<hbm>>
      %dma_wait3A_249 = tpu.memref_slice %arg15[%rem3A_199] : memref<2x!tpu.dma_semaphore, #tpu.memory_space<semaphore_mem>> -> memref<1x!tpu.dma_semaphore, #tpu.memory_space<semaphore_mem>>
      %dma_wait3A_250 = tpu.memref_squeeze %dma_wait3A_249 : memref<1x!tpu.dma_semaphore, #tpu.memory_space<semaphore_mem>> -> memref<!tpu.dma_semaphore, #tpu.memory_space<semaphore_mem>>
      tpu.wait_indirect_dma semaphore(%dma_wait3A_250 : memref<!tpu.dma_semaphore, #tpu.memory_space<semaphore_mem>>) src(%dma_wait3A_248 : memref<325000x128xf32, #tpu.memory_space<hbm>>) dst(%dma_wait3A_242 : memref<128x128xf32, #tpu.memory_space<vmem>>)
      %dma_wait3A_251 = arith.constant 1 : i32
      %dma_wait3A_252 = arith.constant 0 : i32
      %dma_wait3A_253 = tpu.memref_slice %arg14[%rem3A_199, %dma_wait3A_251, %dma_wait3A_252] : memref<2x2x128xf32, #tpu.memory_space<vmem>> -> memref<1x1x128xf32, #tpu.memory_space<vmem>>
      %dma_wait3A_254 = tpu.memref_squeeze %dma_wait3A_253 : memref<1x1x128xf32, #tpu.memory_space<vmem>> -> memref<128xf32, #tpu.memory_space<vmem>>
      %dma_wait3A_255 = arith.constant 0 : i32
      %dma_wait3A_256 = tpu.memref_slice %arg11[%add3A_215, %dma_wait3A_255] : memref<104x128xi32, #tpu.memory_space<vmem>> -> memref<1x128xi32, #tpu.memory_space<vmem>>
      %dma_wait3A_257 = tpu.memref_squeeze %dma_wait3A_256 : memref<1x128xi32, #tpu.memory_space<vmem>> -> memref<128xi32, #tpu.memory_space<vmem>>
      %dma_wait3A_258 = arith.constant 0 : i32
      %dma_wait3A_259 = tpu.memref_slice %arg3[%dma_wait3A_258] : memref<2600000xf32, #tpu.memory_space<hbm>> -> memref<2600000xf32, #tpu.memory_space<hbm>>
      %dma_wait3A_260 = tpu.memref_slice %arg15[%rem3A_199] : memref<2x!tpu.dma_semaphore, #tpu.memory_space<semaphore_mem>> -> memref<1x!tpu.dma_semaphore, #tpu.memory_space<semaphore_mem>>
      %dma_wait3A_261 = tpu.memref_squeeze %dma_wait3A_260 : memref<1x!tpu.dma_semaphore, #tpu.memory_space<semaphore_mem>> -> memref<!tpu.dma_semaphore, #tpu.memory_space<semaphore_mem>>
      tpu.wait_indirect_dma semaphore(%dma_wait3A_261 : memref<!tpu.dma_semaphore, #tpu.memory_space<semaphore_mem>>) src(%dma_wait3A_259 : memref<2600000xf32, #tpu.memory_space<hbm>>) dst(%dma_wait3A_254 : memref<128xf32, #tpu.memory_space<vmem>>)
      %scan3A_262 = arith.constant 0 : i32
      %scan3A_263 = arith.constant 0 : i32
      %scan3A_264 = arith.constant 16 : i32
      %scan3A_265 = arith.addi %scan3A_263, %scan3A_264 : i32
      %scan3A_266 = arith.constant 1 : i32
      scf.for %scan3A_308 = %scan3A_263 to %scan3A_265 step %scan3A_266  : i32 {
        %mul3A_309 = arith.constant 2 : i32
        %mul3A_310 = arith.muli %scan3A_198, %mul3A_309 : i32
        %div3A = arith.constant 8 : i32
        %div3A_311 = arith.divsi %scan3A_308, %div3A : i32
        %add3A_312 = arith.addi %mul3A_310, %div3A_311 : i32
        %rem3A_313 = arith.constant 8 : i32
        %rem3A_314 = arith.remsi %scan3A_308, %rem3A_313 : i32
        %mul3A_315 = arith.constant 16 : i32
        %mul3A_316 = arith.muli %rem3A_314, %mul3A_315 : i32
        %get3A = arith.index_cast %add3A_312 : i32 to index
        %get3A_317 = arith.index_cast %mul3A_316 : i32 to index
        %get3A_318 = tpu.vector_load %arg10[%get3A, %get3A_317] {strides = array<i32>} : memref<104x128xi32, #tpu.memory_space<vmem>>, vector<1x16xi32>,
        %get3A_319 = vector.shape_cast %get3A_318 : vector<1x16xi32> to vector<16xi32>
        %mul3A_320 = arith.constant 16 : i32
        %mul3A_321 = arith.muli %scan3A_308, %mul3A_320 : i32
        %add3A_322 = arith.constant 0 : i32
        %add3A_323 = arith.addi %mul3A_321, %add3A_322 : i32
        %slice3A = vector.extract_strided_slice %get3A_319 {offsets = [0], sizes = [1], strides = [1]} : vector<16xi32> to vector<1xi32>
        %squeeze3A = vector.extract %slice3A[0] : i32 from vector<1xi32>
        %get3A_324 = arith.index_cast %rem3A_199 : i32 to index
        %get3A_325 = arith.index_cast %add3A_323 : i32 to index
        %get3A_326 = arith.index_cast %squeeze3A : i32 to index
        %get3A_327 = tpu.vector_load %arg12[%get3A_324, %get3A_325, %get3A_326] {strides = array<i32>} : memref<2x256x128xf32, #tpu.memory_space<vmem>>, vector<1x1x16xf32>,
        %get3A_328 = vector.shape_cast %get3A_327 : vector<1x1x16xf32> to vector<16xf32>
        %mul3A_329 = arith.constant 2 : i32
        %mul3A_330 = arith.muli %scan3A_308, %mul3A_329 : i32
        %add3A_331 = arith.constant 0 : i32
        %add3A_332 = arith.addi %mul3A_330, %add3A_331 : i32
        %swap3A = arith.index_cast %rem3A_199 : i32 to index
        %swap3A_333 = arith.index_cast %add3A_332 : i32 to index
        %swap3A_334 = arith.constant 0 : index
        %swap3A_335 = tpu.vector_load %arg13[%swap3A, %swap3A_333, %swap3A_334] {strides = array<i32>} : memref<2x32x128xf32, #tpu.memory_space<vmem>>, vector<1x1x16xf32>,
        %swap3A_336 = vector.shape_cast %swap3A_335 : vector<1x1x16xf32> to vector<16xf32>
        %swap3A_337 = vector.shape_cast %get3A_328 : vector<16xf32> to vector<1x1x16xf32>
        tpu.vector_store %arg13[%swap3A, %swap3A_333, %swap3A_334], %swap3A_337 {strides = array<i32>} : memref<2x32x128xf32, #tpu.memory_space<vmem>>, vector<1x1x16xf32>,
        %mul3A_338 = arith.constant 16 : i32
        %mul3A_339 = arith.muli %scan3A_308, %mul3A_338 : i32
        %add3A_340 = arith.constant 1 : i32
        %add3A_341 = arith.addi %mul3A_339, %add3A_340 : i32
        %slice3A_342 = vector.extract_strided_slice %get3A_319 {offsets = [1], sizes = [1], strides = [1]} : vector<16xi32> to vector<1xi32>
        %squeeze3A_343 = vector.extract %slice3A_342[0] : i32 from vector<1xi32>
        %get3A_344 = arith.index_cast %rem3A_199 : i32 to index
        %get3A_345 = arith.index_cast %add3A_341 : i32 to index
        %get3A_346 = arith.index_cast %squeeze3A_343 : i32 to index
        %get3A_347 = tpu.vector_load %arg12[%get3A_344, %get3A_345, %get3A_346] {strides = array<i32>} : memref<2x256x128xf32, #tpu.memory_space<vmem>>, vector<1x1x16xf32>,
        %get3A_348 = vector.shape_cast %get3A_347 : vector<1x1x16xf32> to vector<16xf32>
        %mul3A_349 = arith.constant 2 : i32
        %mul3A_350 = arith.muli %scan3A_308, %mul3A_349 : i32
        %add3A_351 = arith.constant 0 : i32
        %add3A_352 = arith.addi %mul3A_350, %add3A_351 : i32
        %swap3A_353 = arith.index_cast %rem3A_199 : i32 to index
        %swap3A_354 = arith.index_cast %add3A_352 : i32 to index
        %swap3A_355 = arith.constant 16 : index
        %swap3A_356 = tpu.vector_load %arg13[%swap3A_353, %swap3A_354, %swap3A_355] {strides = array<i32>} : memref<2x32x128xf32, #tpu.memory_space<vmem>>, vector<1x1x16xf32>,
        %swap3A_357 = vector.shape_cast %swap3A_356 : vector<1x1x16xf32> to vector<16xf32>
        %swap3A_358 = vector.shape_cast %get3A_348 : vector<16xf32> to vector<1x1x16xf32>
        tpu.vector_store %arg13[%swap3A_353, %swap3A_354, %swap3A_355], %swap3A_358 {strides = array<i32>} : memref<2x32x128xf32, #tpu.memory_space<vmem>>, vector<1x1x16xf32>,
        %mul3A_359 = arith.constant 16 : i32
        %mul3A_360 = arith.muli %scan3A_308, %mul3A_359 : i32
        %add3A_361 = arith.constant 2 : i32
        %add3A_362 = arith.addi %mul3A_360, %add3A_361 : i32
        %slice3A_363 = vector.extract_strided_slice %get3A_319 {offsets = [2], sizes = [1], strides = [1]} : vector<16xi32> to vector<1xi32>
        %squeeze3A_364 = vector.extract %slice3A_363[0] : i32 from vector<1xi32>
        %get3A_365 = arith.index_cast %rem3A_199 : i32 to index
        %get3A_366 = arith.index_cast %add3A_362 : i32 to index
        %get3A_367 = arith.index_cast %squeeze3A_364 : i32 to index
        %get3A_368 = tpu.vector_load %arg12[%get3A_365, %get3A_366, %get3A_367] {strides = array<i32>} : memref<2x256x128xf32, #tpu.memory_space<vmem>>, vector<1x1x16xf32>,
        %get3A_369 = vector.shape_cast %get3A_368 : vector<1x1x16xf32> to vector<16xf32>
        %mul3A_370 = arith.constant 2 : i32
        %mul3A_371 = arith.muli %scan3A_308, %mul3A_370 : i32
        %add3A_372 = arith.constant 0 : i32
        %add3A_373 = arith.addi %mul3A_371, %add3A_372 : i32
        %swap3A_374 = arith.index_cast %rem3A_199 : i32 to index
        %swap3A_375 = arith.index_cast %add3A_373 : i32 to index
        %swap3A_376 = arith.constant 32 : index
        %swap3A_377 = tpu.vector_load %arg13[%swap3A_374, %swap3A_375, %swap3A_376] {strides = array<i32>} : memref<2x32x128xf32, #tpu.memory_space<vmem>>, vector<1x1x16xf32>,
        %swap3A_378 = vector.shape_cast %swap3A_377 : vector<1x1x16xf32> to vector<16xf32>
        %swap3A_379 = vector.shape_cast %get3A_369 : vector<16xf32> to vector<1x1x16xf32>
        tpu.vector_store %arg13[%swap3A_374, %swap3A_375, %swap3A_376], %swap3A_379 {strides = array<i32>} : memref<2x32x128xf32, #tpu.memory_space<vmem>>, vector<1x1x16xf32>,
        %mul3A_380 = arith.constant 16 : i32
        %mul3A_381 = arith.muli %scan3A_308, %mul3A_380 : i32
        %add3A_382 = arith.constant 3 : i32
        %add3A_383 = arith.addi %mul3A_381, %add3A_382 : i32
        %slice3A_384 = vector.extract_strided_slice %get3A_319 {offsets = [3], sizes = [1], strides = [1]} : vector<16xi32> to vector<1xi32>
        %squeeze3A_385 = vector.extract %slice3A_384[0] : i32 from vector<1xi32>
        %get3A_386 = arith.index_cast %rem3A_199 : i32 to index
        %get3A_387 = arith.index_cast %add3A_383 : i32 to index
        %get3A_388 = arith.index_cast %squeeze3A_385 : i32 to index
        %get3A_389 = tpu.vector_load %arg12[%get3A_386, %get3A_387, %get3A_388] {strides = array<i32>} : memref<2x256x128xf32, #tpu.memory_space<vmem>>, vector<1x1x16xf32>,
        %get3A_390 = vector.shape_cast %get3A_389 : vector<1x1x16xf32> to vector<16xf32>
        %mul3A_391 = arith.constant 2 : i32
        %mul3A_392 = arith.muli %scan3A_308, %mul3A_391 : i32
        %add3A_393 = arith.constant 0 : i32
        %add3A_394 = arith.addi %mul3A_392, %add3A_393 : i32
        %swap3A_395 = arith.index_cast %rem3A_199 : i32 to index
        %swap3A_396 = arith.index_cast %add3A_394 : i32 to index
        %swap3A_397 = arith.constant 48 : index
        %swap3A_398 = tpu.vector_load %arg13[%swap3A_395, %swap3A_396, %swap3A_397] {strides = array<i32>} : memref<2x32x128xf32, #tpu.memory_space<vmem>>, vector<1x1x16xf32>,
        %swap3A_399 = vector.shape_cast %swap3A_398 : vector<1x1x16xf32> to vector<16xf32>
        %swap3A_400 = vector.shape_cast %get3A_390 : vector<16xf32> to vector<1x1x16xf32>
        tpu.vector_store %arg13[%swap3A_395, %swap3A_396, %swap3A_397], %swap3A_400 {strides = array<i32>} : memref<2x32x128xf32, #tpu.memory_space<vmem>>, vector<1x1x16xf32>,
        %mul3A_401 = arith.constant 16 : i32
        %mul3A_402 = arith.muli %scan3A_308, %mul3A_401 : i32
        %add3A_403 = arith.constant 4 : i32
        %add3A_404 = arith.addi %mul3A_402, %add3A_403 : i32
        %slice3A_405 = vector.extract_strided_slice %get3A_319 {offsets = [4], sizes = [1], strides = [1]} : vector<16xi32> to vector<1xi32>
        %squeeze3A_406 = vector.extract %slice3A_405[0] : i32 from vector<1xi32>
        %get3A_407 = arith.index_cast %rem3A_199 : i32 to index
        %get3A_408 = arith.index_cast %add3A_404 : i32 to index
        %get3A_409 = arith.index_cast %squeeze3A_406 : i32 to index
        %get3A_410 = tpu.vector_load %arg12[%get3A_407, %get3A_408, %get3A_409] {strides = array<i32>} : memref<2x256x128xf32, #tpu.memory_space<vmem>>, vector<1x1x16xf32>,
        %get3A_411 = vector.shape_cast %get3A_410 : vector<1x1x16xf32> to vector<16xf32>
        %mul3A_412 = arith.constant 2 : i32
        %mul3A_413 = arith.muli %scan3A_308, %mul3A_412 : i32
        %add3A_414 = arith.constant 0 : i32
        %add3A_415 = arith.addi %mul3A_413, %add3A_414 : i32
        %swap3A_416 = arith.index_cast %rem3A_199 : i32 to index
        %swap3A_417 = arith.index_cast %add3A_415 : i32 to index
        %swap3A_418 = arith.constant 64 : index
        %swap3A_419 = tpu.vector_load %arg13[%swap3A_416, %swap3A_417, %swap3A_418] {strides = array<i32>} : memref<2x32x128xf32, #tpu.memory_space<vmem>>, vector<1x1x16xf32>,
        %swap3A_420 = vector.shape_cast %swap3A_419 : vector<1x1x16xf32> to vector<16xf32>
        %swap3A_421 = vector.shape_cast %get3A_411 : vector<16xf32> to vector<1x1x16xf32>
        tpu.vector_store %arg13[%swap3A_416, %swap3A_417, %swap3A_418], %swap3A_421 {strides = array<i32>} : memref<2x32x128xf32, #tpu.memory_space<vmem>>, vector<1x1x16xf32>,
        %mul3A_422 = arith.constant 16 : i32
        %mul3A_423 = arith.muli %scan3A_308, %mul3A_422 : i32
        %add3A_424 = arith.constant 5 : i32
        %add3A_425 = arith.addi %mul3A_423, %add3A_424 : i32
        %slice3A_426 = vector.extract_strided_slice %get3A_319 {offsets = [5], sizes = [1], strides = [1]} : vector<16xi32> to vector<1xi32>
        %squeeze3A_427 = vector.extract %slice3A_426[0] : i32 from vector<1xi32>
        %get3A_428 = arith.index_cast %rem3A_199 : i32 to index
        %get3A_429 = arith.index_cast %add3A_425 : i32 to index
        %get3A_430 = arith.index_cast %squeeze3A_427 : i32 to index
        %get3A_431 = tpu.vector_load %arg12[%get3A_428, %get3A_429, %get3A_430] {strides = array<i32>} : memref<2x256x128xf32, #tpu.memory_space<vmem>>, vector<1x1x16xf32>,
        %get3A_432 = vector.shape_cast %get3A_431 : vector<1x1x16xf32> to vector<16xf32>
        %mul3A_433 = arith.constant 2 : i32
        %mul3A_434 = arith.muli %scan3A_308, %mul3A_433 : i32
        %add3A_435 = arith.constant 0 : i32
        %add3A_436 = arith.addi %mul3A_434, %add3A_435 : i32
        %swap3A_437 = arith.index_cast %rem3A_199 : i32 to index
        %swap3A_438 = arith.index_cast %add3A_436 : i32 to index
        %swap3A_439 = arith.constant 80 : index
        %swap3A_440 = tpu.vector_load %arg13[%swap3A_437, %swap3A_438, %swap3A_439] {strides = array<i32>} : memref<2x32x128xf32, #tpu.memory_space<vmem>>, vector<1x1x16xf32>,
        %swap3A_441 = vector.shape_cast %swap3A_440 : vector<1x1x16xf32> to vector<16xf32>
        %swap3A_442 = vector.shape_cast %get3A_432 : vector<16xf32> to vector<1x1x16xf32>
        tpu.vector_store %arg13[%swap3A_437, %swap3A_438, %swap3A_439], %swap3A_442 {strides = array<i32>} : memref<2x32x128xf32, #tpu.memory_space<vmem>>, vector<1x1x16xf32>,
        %mul3A_443 = arith.constant 16 : i32
        %mul3A_444 = arith.muli %scan3A_308, %mul3A_443 : i32
        %add3A_445 = arith.constant 6 : i32
        %add3A_446 = arith.addi %mul3A_444, %add3A_445 : i32
        %slice3A_447 = vector.extract_strided_slice %get3A_319 {offsets = [6], sizes = [1], strides = [1]} : vector<16xi32> to vector<1xi32>
        %squeeze3A_448 = vector.extract %slice3A_447[0] : i32 from vector<1xi32>
        %get3A_449 = arith.index_cast %rem3A_199 : i32 to index
        %get3A_450 = arith.index_cast %add3A_446 : i32 to index
        %get3A_451 = arith.index_cast %squeeze3A_448 : i32 to index
        %get3A_452 = tpu.vector_load %arg12[%get3A_449, %get3A_450, %get3A_451] {strides = array<i32>} : memref<2x256x128xf32, #tpu.memory_space<vmem>>, vector<1x1x16xf32>,
        %get3A_453 = vector.shape_cast %get3A_452 : vector<1x1x16xf32> to vector<16xf32>
        %mul3A_454 = arith.constant 2 : i32
        %mul3A_455 = arith.muli %scan3A_308, %mul3A_454 : i32
        %add3A_456 = arith.constant 0 : i32
        %add3A_457 = arith.addi %mul3A_455, %add3A_456 : i32
        %swap3A_458 = arith.index_cast %rem3A_199 : i32 to index
        %swap3A_459 = arith.index_cast %add3A_457 : i32 to index
        %swap3A_460 = arith.constant 96 : index
        %swap3A_461 = tpu.vector_load %arg13[%swap3A_458, %swap3A_459, %swap3A_460] {strides = array<i32>} : memref<2x32x128xf32, #tpu.memory_space<vmem>>, vector<1x1x16xf32>,
        %swap3A_462 = vector.shape_cast %swap3A_461 : vector<1x1x16xf32> to vector<16xf32>
        %swap3A_463 = vector.shape_cast %get3A_453 : vector<16xf32> to vector<1x1x16xf32>
        tpu.vector_store %arg13[%swap3A_458, %swap3A_459, %swap3A_460], %swap3A_463 {strides = array<i32>} : memref<2x32x128xf32, #tpu.memory_space<vmem>>, vector<1x1x16xf32>,
        %mul3A_464 = arith.constant 16 : i32
        %mul3A_465 = arith.muli %scan3A_308, %mul3A_464 : i32
        %add3A_466 = arith.constant 7 : i32
        %add3A_467 = arith.addi %mul3A_465, %add3A_466 : i32
        %slice3A_468 = vector.extract_strided_slice %get3A_319 {offsets = [7], sizes = [1], strides = [1]} : vector<16xi32> to vector<1xi32>
        %squeeze3A_469 = vector.extract %slice3A_468[0] : i32 from vector<1xi32>
        %get3A_470 = arith.index_cast %rem3A_199 : i32 to index
        %get3A_471 = arith.index_cast %add3A_467 : i32 to index
        %get3A_472 = arith.index_cast %squeeze3A_469 : i32 to index
        %get3A_473 = tpu.vector_load %arg12[%get3A_470, %get3A_471, %get3A_472] {strides = array<i32>} : memref<2x256x128xf32, #tpu.memory_space<vmem>>, vector<1x1x16xf32>,
        %get3A_474 = vector.shape_cast %get3A_473 : vector<1x1x16xf32> to vector<16xf32>
        %mul3A_475 = arith.constant 2 : i32
        %mul3A_476 = arith.muli %scan3A_308, %mul3A_475 : i32
        %add3A_477 = arith.constant 0 : i32
        %add3A_478 = arith.addi %mul3A_476, %add3A_477 : i32
        %swap3A_479 = arith.index_cast %rem3A_199 : i32 to index
        %swap3A_480 = arith.index_cast %add3A_478 : i32 to index
        %swap3A_481 = arith.constant 112 : index
        %swap3A_482 = tpu.vector_load %arg13[%swap3A_479, %swap3A_480, %swap3A_481] {strides = array<i32>} : memref<2x32x128xf32, #tpu.memory_space<vmem>>, vector<1x1x16xf32>,
        %swap3A_483 = vector.shape_cast %swap3A_482 : vector<1x1x16xf32> to vector<16xf32>
        %swap3A_484 = vector.shape_cast %get3A_474 : vector<16xf32> to vector<1x1x16xf32>
        tpu.vector_store %arg13[%swap3A_479, %swap3A_480, %swap3A_481], %swap3A_484 {strides = array<i32>} : memref<2x32x128xf32, #tpu.memory_space<vmem>>, vector<1x1x16xf32>,
        %mul3A_485 = arith.constant 16 : i32
        %mul3A_486 = arith.muli %scan3A_308, %mul3A_485 : i32
        %add3A_487 = arith.constant 8 : i32
        %add3A_488 = arith.addi %mul3A_486, %add3A_487 : i32
        %slice3A_489 = vector.extract_strided_slice %get3A_319 {offsets = [8], sizes = [1], strides = [1]} : vector<16xi32> to vector<1xi32>
        %squeeze3A_490 = vector.extract %slice3A_489[0] : i32 from vector<1xi32>
        %get3A_491 = arith.index_cast %rem3A_199 : i32 to index
        %get3A_492 = arith.index_cast %add3A_488 : i32 to index
        %get3A_493 = arith.index_cast %squeeze3A_490 : i32 to index
        %get3A_494 = tpu.vector_load %arg12[%get3A_491, %get3A_492, %get3A_493] {strides = array<i32>} : memref<2x256x128xf32, #tpu.memory_space<vmem>>, vector<1x1x16xf32>,
        %get3A_495 = vector.shape_cast %get3A_494 : vector<1x1x16xf32> to vector<16xf32>
        %mul3A_496 = arith.constant 2 : i32
        %mul3A_497 = arith.muli %scan3A_308, %mul3A_496 : i32
        %add3A_498 = arith.constant 1 : i32
        %add3A_499 = arith.addi %mul3A_497, %add3A_498 : i32
        %swap3A_500 = arith.index_cast %rem3A_199 : i32 to index
        %swap3A_501 = arith.index_cast %add3A_499 : i32 to index
        %swap3A_502 = arith.constant 0 : index
        %swap3A_503 = tpu.vector_load %arg13[%swap3A_500, %swap3A_501, %swap3A_502] {strides = array<i32>} : memref<2x32x128xf32, #tpu.memory_space<vmem>>, vector<1x1x16xf32>,
        %swap3A_504 = vector.shape_cast %swap3A_503 : vector<1x1x16xf32> to vector<16xf32>
        %swap3A_505 = vector.shape_cast %get3A_495 : vector<16xf32> to vector<1x1x16xf32>
        tpu.vector_store %arg13[%swap3A_500, %swap3A_501, %swap3A_502], %swap3A_505 {strides = array<i32>} : memref<2x32x128xf32, #tpu.memory_space<vmem>>, vector<1x1x16xf32>,
        %mul3A_506 = arith.constant 16 : i32
        %mul3A_507 = arith.muli %scan3A_308, %mul3A_506 : i32
        %add3A_508 = arith.constant 9 : i32
        %add3A_509 = arith.addi %mul3A_507, %add3A_508 : i32
        %slice3A_510 = vector.extract_strided_slice %get3A_319 {offsets = [9], sizes = [1], strides = [1]} : vector<16xi32> to vector<1xi32>
        %squeeze3A_511 = vector.extract %slice3A_510[0] : i32 from vector<1xi32>
        %get3A_512 = arith.index_cast %rem3A_199 : i32 to index
        %get3A_513 = arith.index_cast %add3A_509 : i32 to index
        %get3A_514 = arith.index_cast %squeeze3A_511 : i32 to index
        %get3A_515 = tpu.vector_load %arg12[%get3A_512, %get3A_513, %get3A_514] {strides = array<i32>} : memref<2x256x128xf32, #tpu.memory_space<vmem>>, vector<1x1x16xf32>,
        %get3A_516 = vector.shape_cast %get3A_515 : vector<1x1x16xf32> to vector<16xf32>
        %mul3A_517 = arith.constant 2 : i32
        %mul3A_518 = arith.muli %scan3A_308, %mul3A_517 : i32
        %add3A_519 = arith.constant 1 : i32
        %add3A_520 = arith.addi %mul3A_518, %add3A_519 : i32
        %swap3A_521 = arith.index_cast %rem3A_199 : i32 to index
        %swap3A_522 = arith.index_cast %add3A_520 : i32 to index
        %swap3A_523 = arith.constant 16 : index
        %swap3A_524 = tpu.vector_load %arg13[%swap3A_521, %swap3A_522, %swap3A_523] {strides = array<i32>} : memref<2x32x128xf32, #tpu.memory_space<vmem>>, vector<1x1x16xf32>,
        %swap3A_525 = vector.shape_cast %swap3A_524 : vector<1x1x16xf32> to vector<16xf32>
        %swap3A_526 = vector.shape_cast %get3A_516 : vector<16xf32> to vector<1x1x16xf32>
        tpu.vector_store %arg13[%swap3A_521, %swap3A_522, %swap3A_523], %swap3A_526 {strides = array<i32>} : memref<2x32x128xf32, #tpu.memory_space<vmem>>, vector<1x1x16xf32>,
        %mul3A_527 = arith.constant 16 : i32
        %mul3A_528 = arith.muli %scan3A_308, %mul3A_527 : i32
        %add3A_529 = arith.constant 10 : i32
        %add3A_530 = arith.addi %mul3A_528, %add3A_529 : i32
        %slice3A_531 = vector.extract_strided_slice %get3A_319 {offsets = [10], sizes = [1], strides = [1]} : vector<16xi32> to vector<1xi32>
        %squeeze3A_532 = vector.extract %slice3A_531[0] : i32 from vector<1xi32>
        %get3A_533 = arith.index_cast %rem3A_199 : i32 to index
        %get3A_534 = arith.index_cast %add3A_530 : i32 to index
        %get3A_535 = arith.index_cast %squeeze3A_532 : i32 to index
        %get3A_536 = tpu.vector_load %arg12[%get3A_533, %get3A_534, %get3A_535] {strides = array<i32>} : memref<2x256x128xf32, #tpu.memory_space<vmem>>, vector<1x1x16xf32>,
        %get3A_537 = vector.shape_cast %get3A_536 : vector<1x1x16xf32> to vector<16xf32>
        %mul3A_538 = arith.constant 2 : i32
        %mul3A_539 = arith.muli %scan3A_308, %mul3A_538 : i32
        %add3A_540 = arith.constant 1 : i32
        %add3A_541 = arith.addi %mul3A_539, %add3A_540 : i32
        %swap3A_542 = arith.index_cast %rem3A_199 : i32 to index
        %swap3A_543 = arith.index_cast %add3A_541 : i32 to index
        %swap3A_544 = arith.constant 32 : index
        %swap3A_545 = tpu.vector_load %arg13[%swap3A_542, %swap3A_543, %swap3A_544] {strides = array<i32>} : memref<2x32x128xf32, #tpu.memory_space<vmem>>, vector<1x1x16xf32>,
        %swap3A_546 = vector.shape_cast %swap3A_545 : vector<1x1x16xf32> to vector<16xf32>
        %swap3A_547 = vector.shape_cast %get3A_537 : vector<16xf32> to vector<1x1x16xf32>
        tpu.vector_store %arg13[%swap3A_542, %swap3A_543, %swap3A_544], %swap3A_547 {strides = array<i32>} : memref<2x32x128xf32, #tpu.memory_space<vmem>>, vector<1x1x16xf32>,
        %mul3A_548 = arith.constant 16 : i32
        %mul3A_549 = arith.muli %scan3A_308, %mul3A_548 : i32
        %add3A_550 = arith.constant 11 : i32
        %add3A_551 = arith.addi %mul3A_549, %add3A_550 : i32
        %slice3A_552 = vector.extract_strided_slice %get3A_319 {offsets = [11], sizes = [1], strides = [1]} : vector<16xi32> to vector<1xi32>
        %squeeze3A_553 = vector.extract %slice3A_552[0] : i32 from vector<1xi32>
        %get3A_554 = arith.index_cast %rem3A_199 : i32 to index
        %get3A_555 = arith.index_cast %add3A_551 : i32 to index
        %get3A_556 = arith.index_cast %squeeze3A_553 : i32 to index
        %get3A_557 = tpu.vector_load %arg12[%get3A_554, %get3A_555, %get3A_556] {strides = array<i32>} : memref<2x256x128xf32, #tpu.memory_space<vmem>>, vector<1x1x16xf32>,
        %get3A_558 = vector.shape_cast %get3A_557 : vector<1x1x16xf32> to vector<16xf32>
        %mul3A_559 = arith.constant 2 : i32
        %mul3A_560 = arith.muli %scan3A_308, %mul3A_559 : i32
        %add3A_561 = arith.constant 1 : i32
        %add3A_562 = arith.addi %mul3A_560, %add3A_561 : i32
        %swap3A_563 = arith.index_cast %rem3A_199 : i32 to index
        %swap3A_564 = arith.index_cast %add3A_562 : i32 to index
        %swap3A_565 = arith.constant 48 : index
        %swap3A_566 = tpu.vector_load %arg13[%swap3A_563, %swap3A_564, %swap3A_565] {strides = array<i32>} : memref<2x32x128xf32, #tpu.memory_space<vmem>>, vector<1x1x16xf32>,
        %swap3A_567 = vector.shape_cast %swap3A_566 : vector<1x1x16xf32> to vector<16xf32>
        %swap3A_568 = vector.shape_cast %get3A_558 : vector<16xf32> to vector<1x1x16xf32>
        tpu.vector_store %arg13[%swap3A_563, %swap3A_564, %swap3A_565], %swap3A_568 {strides = array<i32>} : memref<2x32x128xf32, #tpu.memory_space<vmem>>, vector<1x1x16xf32>,
        %mul3A_569 = arith.constant 16 : i32
        %mul3A_570 = arith.muli %scan3A_308, %mul3A_569 : i32
        %add3A_571 = arith.constant 12 : i32
        %add3A_572 = arith.addi %mul3A_570, %add3A_571 : i32
        %slice3A_573 = vector.extract_strided_slice %get3A_319 {offsets = [12], sizes = [1], strides = [1]} : vector<16xi32> to vector<1xi32>
        %squeeze3A_574 = vector.extract %slice3A_573[0] : i32 from vector<1xi32>
        %get3A_575 = arith.index_cast %rem3A_199 : i32 to index
        %get3A_576 = arith.index_cast %add3A_572 : i32 to index
        %get3A_577 = arith.index_cast %squeeze3A_574 : i32 to index
        %get3A_578 = tpu.vector_load %arg12[%get3A_575, %get3A_576, %get3A_577] {strides = array<i32>} : memref<2x256x128xf32, #tpu.memory_space<vmem>>, vector<1x1x16xf32>,
        %get3A_579 = vector.shape_cast %get3A_578 : vector<1x1x16xf32> to vector<16xf32>
        %mul3A_580 = arith.constant 2 : i32
        %mul3A_581 = arith.muli %scan3A_308, %mul3A_580 : i32
        %add3A_582 = arith.constant 1 : i32
        %add3A_583 = arith.addi %mul3A_581, %add3A_582 : i32
        %swap3A_584 = arith.index_cast %rem3A_199 : i32 to index
        %swap3A_585 = arith.index_cast %add3A_583 : i32 to index
        %swap3A_586 = arith.constant 64 : index
        %swap3A_587 = tpu.vector_load %arg13[%swap3A_584, %swap3A_585, %swap3A_586] {strides = array<i32>} : memref<2x32x128xf32, #tpu.memory_space<vmem>>, vector<1x1x16xf32>,
        %swap3A_588 = vector.shape_cast %swap3A_587 : vector<1x1x16xf32> to vector<16xf32>
        %swap3A_589 = vector.shape_cast %get3A_579 : vector<16xf32> to vector<1x1x16xf32>
        tpu.vector_store %arg13[%swap3A_584, %swap3A_585, %swap3A_586], %swap3A_589 {strides = array<i32>} : memref<2x32x128xf32, #tpu.memory_space<vmem>>, vector<1x1x16xf32>,
        %mul3A_590 = arith.constant 16 : i32
        %mul3A_591 = arith.muli %scan3A_308, %mul3A_590 : i32
        %add3A_592 = arith.constant 13 : i32
        %add3A_593 = arith.addi %mul3A_591, %add3A_592 : i32
        %slice3A_594 = vector.extract_strided_slice %get3A_319 {offsets = [13], sizes = [1], strides = [1]} : vector<16xi32> to vector<1xi32>
        %squeeze3A_595 = vector.extract %slice3A_594[0] : i32 from vector<1xi32>
        %get3A_596 = arith.index_cast %rem3A_199 : i32 to index
        %get3A_597 = arith.index_cast %add3A_593 : i32 to index
        %get3A_598 = arith.index_cast %squeeze3A_595 : i32 to index
        %get3A_599 = tpu.vector_load %arg12[%get3A_596, %get3A_597, %get3A_598] {strides = array<i32>} : memref<2x256x128xf32, #tpu.memory_space<vmem>>, vector<1x1x16xf32>,
        %get3A_600 = vector.shape_cast %get3A_599 : vector<1x1x16xf32> to vector<16xf32>
        %mul3A_601 = arith.constant 2 : i32
        %mul3A_602 = arith.muli %scan3A_308, %mul3A_601 : i32
        %add3A_603 = arith.constant 1 : i32
        %add3A_604 = arith.addi %mul3A_602, %add3A_603 : i32
        %swap3A_605 = arith.index_cast %rem3A_199 : i32 to index
        %swap3A_606 = arith.index_cast %add3A_604 : i32 to index
        %swap3A_607 = arith.constant 80 : index
        %swap3A_608 = tpu.vector_load %arg13[%swap3A_605, %swap3A_606, %swap3A_607] {strides = array<i32>} : memref<2x32x128xf32, #tpu.memory_space<vmem>>, vector<1x1x16xf32>,
        %swap3A_609 = vector.shape_cast %swap3A_608 : vector<1x1x16xf32> to vector<16xf32>
        %swap3A_610 = vector.shape_cast %get3A_600 : vector<16xf32> to vector<1x1x16xf32>
        tpu.vector_store %arg13[%swap3A_605, %swap3A_606, %swap3A_607], %swap3A_610 {strides = array<i32>} : memref<2x32x128xf32, #tpu.memory_space<vmem>>, vector<1x1x16xf32>,
        %mul3A_611 = arith.constant 16 : i32
        %mul3A_612 = arith.muli %scan3A_308, %mul3A_611 : i32
        %add3A_613 = arith.constant 14 : i32
        %add3A_614 = arith.addi %mul3A_612, %add3A_613 : i32
        %slice3A_615 = vector.extract_strided_slice %get3A_319 {offsets = [14], sizes = [1], strides = [1]} : vector<16xi32> to vector<1xi32>
        %squeeze3A_616 = vector.extract %slice3A_615[0] : i32 from vector<1xi32>
        %get3A_617 = arith.index_cast %rem3A_199 : i32 to index
        %get3A_618 = arith.index_cast %add3A_614 : i32 to index
        %get3A_619 = arith.index_cast %squeeze3A_616 : i32 to index
        %get3A_620 = tpu.vector_load %arg12[%get3A_617, %get3A_618, %get3A_619] {strides = array<i32>} : memref<2x256x128xf32, #tpu.memory_space<vmem>>, vector<1x1x16xf32>,
        %get3A_621 = vector.shape_cast %get3A_620 : vector<1x1x16xf32> to vector<16xf32>
        %mul3A_622 = arith.constant 2 : i32
        %mul3A_623 = arith.muli %scan3A_308, %mul3A_622 : i32
        %add3A_624 = arith.constant 1 : i32
        %add3A_625 = arith.addi %mul3A_623, %add3A_624 : i32
        %swap3A_626 = arith.index_cast %rem3A_199 : i32 to index
        %swap3A_627 = arith.index_cast %add3A_625 : i32 to index
        %swap3A_628 = arith.constant 96 : index
        %swap3A_629 = tpu.vector_load %arg13[%swap3A_626, %swap3A_627, %swap3A_628] {strides = array<i32>} : memref<2x32x128xf32, #tpu.memory_space<vmem>>, vector<1x1x16xf32>,
        %swap3A_630 = vector.shape_cast %swap3A_629 : vector<1x1x16xf32> to vector<16xf32>
        %swap3A_631 = vector.shape_cast %get3A_621 : vector<16xf32> to vector<1x1x16xf32>
        tpu.vector_store %arg13[%swap3A_626, %swap3A_627, %swap3A_628], %swap3A_631 {strides = array<i32>} : memref<2x32x128xf32, #tpu.memory_space<vmem>>, vector<1x1x16xf32>,
        %mul3A_632 = arith.constant 16 : i32
        %mul3A_633 = arith.muli %scan3A_308, %mul3A_632 : i32
        %add3A_634 = arith.constant 15 : i32
        %add3A_635 = arith.addi %mul3A_633, %add3A_634 : i32
        %slice3A_636 = vector.extract_strided_slice %get3A_319 {offsets = [15], sizes = [1], strides = [1]} : vector<16xi32> to vector<1xi32>
        %squeeze3A_637 = vector.extract %slice3A_636[0] : i32 from vector<1xi32>
        %get3A_638 = arith.index_cast %rem3A_199 : i32 to index
        %get3A_639 = arith.index_cast %add3A_635 : i32 to index
        %get3A_640 = arith.index_cast %squeeze3A_637 : i32 to index
        %get3A_641 = tpu.vector_load %arg12[%get3A_638, %get3A_639, %get3A_640] {strides = array<i32>} : memref<2x256x128xf32, #tpu.memory_space<vmem>>, vector<1x1x16xf32>,
        %get3A_642 = vector.shape_cast %get3A_641 : vector<1x1x16xf32> to vector<16xf32>
        %mul3A_643 = arith.constant 2 : i32
        %mul3A_644 = arith.muli %scan3A_308, %mul3A_643 : i32
        %add3A_645 = arith.constant 1 : i32
        %add3A_646 = arith.addi %mul3A_644, %add3A_645 : i32
        %swap3A_647 = arith.index_cast %rem3A_199 : i32 to index
        %swap3A_648 = arith.index_cast %add3A_646 : i32 to index
        %swap3A_649 = arith.constant 112 : index
        %swap3A_650 = tpu.vector_load %arg13[%swap3A_647, %swap3A_648, %swap3A_649] {strides = array<i32>} : memref<2x32x128xf32, #tpu.memory_space<vmem>>, vector<1x1x16xf32>,
        %swap3A_651 = vector.shape_cast %swap3A_650 : vector<1x1x16xf32> to vector<16xf32>
        %swap3A_652 = vector.shape_cast %get3A_642 : vector<16xf32> to vector<1x1x16xf32>
        tpu.vector_store %arg13[%swap3A_647, %swap3A_648, %swap3A_649], %swap3A_652 {strides = array<i32>} : memref<2x32x128xf32, #tpu.memory_space<vmem>>, vector<1x1x16xf32>,
      }
      %scan3A_267 = arith.constant 16 : i32
      %mul3A_268 = arith.constant 2 : i32
      %mul3A_269 = arith.muli %scan3A_198, %mul3A_268 : i32
      %add3A_270 = arith.addi %mul3A_2, %mul3A_269 : i32
      %mul3A_271 = arith.constant 16 : i32
      %mul3A_272 = arith.muli %add3A_270, %mul3A_271 : i32
      %mul3A_273 = arith.constant 2 : i32
      %mul3A_274 = arith.muli %scan3A_198, %mul3A_273 : i32
      %add3A_275 = arith.addi %mul3A_2, %mul3A_274 : i32
      %dma_start3A_276 = arith.constant 0 : i32
      %dma_start3A_277 = arith.constant 0 : i32
      %dma_start3A_278 = tpu.memref_slice %arg13[%rem3A_199, %dma_start3A_276, %dma_start3A_277] : memref<2x32x128xf32, #tpu.memory_space<vmem>> -> memref<1x32x128xf32, #tpu.memory_space<vmem>>
      %dma_start3A_279 = tpu.memref_squeeze %dma_start3A_278 : memref<1x32x128xf32, #tpu.memory_space<vmem>> -> memref<32x128xf32, #tpu.memory_space<vmem>>
      %dma_start3A_280 = arith.constant 0 : i32
      %dma_start3A_281 = tpu.memref_slice %arg7[%mul3A_272, %dma_start3A_280] : memref<53248x128xf32, #tpu.memory_space<hbm>> -> memref<32x128xf32, #tpu.memory_space<hbm>>
      %dma_start3A_282 = tpu.memref_slice %arg16[%rem3A_199] : memref<2x!tpu.dma_semaphore, #tpu.memory_space<semaphore_mem>> -> memref<1x!tpu.dma_semaphore, #tpu.memory_space<semaphore_mem>>
      %dma_start3A_283 = tpu.memref_squeeze %dma_start3A_282 : memref<1x!tpu.dma_semaphore, #tpu.memory_space<semaphore_mem>> -> memref<!tpu.dma_semaphore, #tpu.memory_space<semaphore_mem>>
      %dma_start3A_284 = arith.constant 0 : i32
      %dma_start3A_285 = tpu.memref_slice %arg7[%mul3A_272, %dma_start3A_284] : memref<53248x128xf32, #tpu.memory_space<hbm>> -> memref<32x128xf32, #tpu.memory_space<hbm>>
      %dma_start3A_286 = arith.constant 0 : i32
      %dma_start3A_287 = arith.constant 0 : i32
      %dma_start3A_288 = tpu.memref_slice %arg13[%rem3A_199, %dma_start3A_286, %dma_start3A_287] : memref<2x32x128xf32, #tpu.memory_space<vmem>> -> memref<1x32x128xf32, #tpu.memory_space<vmem>>
      %dma_start3A_289 = tpu.memref_squeeze %dma_start3A_288 : memref<1x32x128xf32, #tpu.memory_space<vmem>> -> memref<32x128xf32, #tpu.memory_space<vmem>>
      tpu.enqueue_dma source(%dma_start3A_289 : memref<32x128xf32, #tpu.memory_space<vmem>>) target(%dma_start3A_285 : memref<32x128xf32, #tpu.memory_space<hbm>>) target_semaphore(%dma_start3A_283 : memref<!tpu.dma_semaphore, #tpu.memory_space<semaphore_mem>>)
      %dma_start3A_290 = arith.constant 0 : i32
      %dma_start3A_291 = arith.constant 0 : i32
      %dma_start3A_292 = tpu.memref_slice %arg14[%rem3A_199, %dma_start3A_290, %dma_start3A_291] : memref<2x2x128xf32, #tpu.memory_space<vmem>> -> memref<1x2x128xf32, #tpu.memory_space<vmem>>
      %dma_start3A_293 = tpu.memref_squeeze %dma_start3A_292 : memref<1x2x128xf32, #tpu.memory_space<vmem>> -> memref<2x128xf32, #tpu.memory_space<vmem>>
      %dma_start3A_294 = arith.constant 0 : i32
      %dma_start3A_295 = tpu.memref_slice %arg8[%add3A_275, %dma_start3A_294] : memref<3328x128xf32, #tpu.memory_space<hbm>> -> memref<2x128xf32, #tpu.memory_space<hbm>>
      %dma_start3A_296 = tpu.memref_slice %arg16[%rem3A_199] : memref<2x!tpu.dma_semaphore, #tpu.memory_space<semaphore_mem>> -> memref<1x!tpu.dma_semaphore, #tpu.memory_space<semaphore_mem>>
      %dma_start3A_297 = tpu.memref_squeeze %dma_start3A_296 : memref<1x!tpu.dma_semaphore, #tpu.memory_space<semaphore_mem>> -> memref<!tpu.dma_semaphore, #tpu.memory_space<semaphore_mem>>
      %dma_start3A_298 = arith.constant 0 : i32
      %dma_start3A_299 = tpu.memref_slice %arg8[%add3A_275, %dma_start3A_298] : memref<3328x128xf32, #tpu.memory_space<hbm>> -> memref<2x128xf32, #tpu.memory_space<hbm>>
      %dma_start3A_300 = arith.constant 0 : i32
      %dma_start3A_301 = arith.constant 0 : i32
      %dma_start3A_302 = tpu.memref_slice %arg14[%rem3A_199, %dma_start3A_300, %dma_start3A_301] : memref<2x2x128xf32, #tpu.memory_space<vmem>> -> memref<1x2x128xf32, #tpu.memory_space<vmem>>
      %dma_start3A_303 = tpu.memref_squeeze %dma_start3A_302 : memref<1x2x128xf32, #tpu.memory_space<vmem>> -> memref<2x128xf32, #tpu.memory_space<vmem>>
      tpu.enqueue_dma source(%dma_start3A_303 : memref<2x128xf32, #tpu.memory_space<vmem>>) target(%dma_start3A_299 : memref<2x128xf32, #tpu.memory_space<hbm>>) target_semaphore(%dma_start3A_297 : memref<!tpu.dma_semaphore, #tpu.memory_space<semaphore_mem>>)
      %add3A_304 = arith.constant 2 : i32
      %add3A_305 = arith.addi %scan3A_198, %add3A_304 : i32
      %lt3A = arith.constant 52 : i32
      %lt3A_306 = arith.cmpi slt, %add3A_305, %lt3A : i32
      %convert_element_type3A = arith.extui %lt3A_306 : i1 to i32
      %cond3A = arith.constant 0 : i32
      %cond3A_307 = arith.cmpi ne, %convert_element_type3A, %cond3A : i32
      scf.if %cond3A_307 {
        %mul3A_308 = arith.constant 2 : i32
        %mul3A_309 = arith.muli %scan3A_198, %mul3A_308 : i32
        %add3A_310 = arith.addi %mul3A_2, %mul3A_309 : i32
        %mul3A_311 = arith.constant 16 : i32
        %mul3A_312 = arith.muli %add3A_310, %mul3A_311 : i32
        %mul3A_313 = arith.constant 2 : i32
        %mul3A_314 = arith.muli %scan3A_198, %mul3A_313 : i32
        %add3A_315 = arith.addi %mul3A_2, %mul3A_314 : i32
        %dma_wait3A_316 = arith.constant 0 : i32
        %dma_wait3A_317 = arith.constant 0 : i32
        %dma_wait3A_318 = tpu.memref_slice %arg13[%rem3A_199, %dma_wait3A_316, %dma_wait3A_317] : memref<2x32x128xf32, #tpu.memory_space<vmem>> -> memref<1x32x128xf32, #tpu.memory_space<vmem>>
        %dma_wait3A_319 = tpu.memref_squeeze %dma_wait3A_318 : memref<1x32x128xf32, #tpu.memory_space<vmem>> -> memref<32x128xf32, #tpu.memory_space<vmem>>
        %dma_wait3A_320 = arith.constant 0 : i32
        %dma_wait3A_321 = tpu.memref_slice %arg7[%mul3A_312, %dma_wait3A_320] : memref<53248x128xf32, #tpu.memory_space<hbm>> -> memref<32x128xf32, #tpu.memory_space<hbm>>
        %dma_wait3A_322 = tpu.memref_slice %arg16[%rem3A_199] : memref<2x!tpu.dma_semaphore, #tpu.memory_space<semaphore_mem>> -> memref<1x!tpu.dma_semaphore, #tpu.memory_space<semaphore_mem>>
        %dma_wait3A_323 = tpu.memref_squeeze %dma_wait3A_322 : memref<1x!tpu.dma_semaphore, #tpu.memory_space<semaphore_mem>> -> memref<!tpu.dma_semaphore, #tpu.memory_space<semaphore_mem>>
        %dma_wait3A_324 = arith.constant 0 : i32
        %dma_wait3A_325 = tpu.memref_slice %arg7[%mul3A_312, %dma_wait3A_324] : memref<53248x128xf32, #tpu.memory_space<hbm>> -> memref<32x128xf32, #tpu.memory_space<hbm>>
        %dma_wait3A_326 = arith.constant 0 : i32
        %dma_wait3A_327 = arith.constant 0 : i32
        %dma_wait3A_328 = tpu.memref_slice %arg13[%rem3A_199, %dma_wait3A_326, %dma_wait3A_327] : memref<2x32x128xf32, #tpu.memory_space<vmem>> -> memref<1x32x128xf32, #tpu.memory_space<vmem>>
        %dma_wait3A_329 = tpu.memref_squeeze %dma_wait3A_328 : memref<1x32x128xf32, #tpu.memory_space<vmem>> -> memref<32x128xf32, #tpu.memory_space<vmem>>
        tpu.wait_dma2 semaphore(%dma_wait3A_323 : memref<!tpu.dma_semaphore, #tpu.memory_space<semaphore_mem>>) src(%dma_wait3A_329 : memref<32x128xf32, #tpu.memory_space<vmem>>) dst(%dma_wait3A_325 : memref<32x128xf32, #tpu.memory_space<hbm>>)
        %dma_wait3A_330 = arith.constant 0 : i32
        %dma_wait3A_331 = arith.constant 0 : i32
        %dma_wait3A_332 = tpu.memref_slice %arg14[%rem3A_199, %dma_wait3A_330, %dma_wait3A_331] : memref<2x2x128xf32, #tpu.memory_space<vmem>> -> memref<1x2x128xf32, #tpu.memory_space<vmem>>
        %dma_wait3A_333 = tpu.memref_squeeze %dma_wait3A_332 : memref<1x2x128xf32, #tpu.memory_space<vmem>> -> memref<2x128xf32, #tpu.memory_space<vmem>>
        %dma_wait3A_334 = arith.constant 0 : i32
        %dma_wait3A_335 = tpu.memref_slice %arg8[%add3A_315, %dma_wait3A_334] : memref<3328x128xf32, #tpu.memory_space<hbm>> -> memref<2x128xf32, #tpu.memory_space<hbm>>
        %dma_wait3A_336 = tpu.memref_slice %arg16[%rem3A_199] : memref<2x!tpu.dma_semaphore, #tpu.memory_space<semaphore_mem>> -> memref<1x!tpu.dma_semaphore, #tpu.memory_space<semaphore_mem>>
        %dma_wait3A_337 = tpu.memref_squeeze %dma_wait3A_336 : memref<1x!tpu.dma_semaphore, #tpu.memory_space<semaphore_mem>> -> memref<!tpu.dma_semaphore, #tpu.memory_space<semaphore_mem>>
        %dma_wait3A_338 = arith.constant 0 : i32
        %dma_wait3A_339 = tpu.memref_slice %arg8[%add3A_315, %dma_wait3A_338] : memref<3328x128xf32, #tpu.memory_space<hbm>> -> memref<2x128xf32, #tpu.memory_space<hbm>>
        %dma_wait3A_340 = arith.constant 0 : i32
        %dma_wait3A_341 = arith.constant 0 : i32
        %dma_wait3A_342 = tpu.memref_slice %arg14[%rem3A_199, %dma_wait3A_340, %dma_wait3A_341] : memref<2x2x128xf32, #tpu.memory_space<vmem>> -> memref<1x2x128xf32, #tpu.memory_space<vmem>>
        %dma_wait3A_343 = tpu.memref_squeeze %dma_wait3A_342 : memref<1x2x128xf32, #tpu.memory_space<vmem>> -> memref<2x128xf32, #tpu.memory_space<vmem>>
        tpu.wait_dma2 semaphore(%dma_wait3A_337 : memref<!tpu.dma_semaphore, #tpu.memory_space<semaphore_mem>>) src(%dma_wait3A_343 : memref<2x128xf32, #tpu.memory_space<vmem>>) dst(%dma_wait3A_339 : memref<2x128xf32, #tpu.memory_space<hbm>>)
        %add3A_344 = arith.constant 2 : i32
        %add3A_345 = arith.addi %scan3A_198, %add3A_344 : i32
        %mul3A_346 = arith.constant 2 : i32
        %mul3A_347 = arith.muli %add3A_345, %mul3A_346 : i32
        %add3A_348 = arith.constant 0 : i32
        %add3A_349 = arith.addi %mul3A_347, %add3A_348 : i32
        %mul3A_350 = arith.constant 2 : i32
        %mul3A_351 = arith.muli %add3A_345, %mul3A_350 : i32
        %add3A_352 = arith.constant 0 : i32
        %add3A_353 = arith.addi %mul3A_351, %add3A_352 : i32
        %mul3A_354 = arith.constant 2 : i32
        %mul3A_355 = arith.muli %add3A_345, %mul3A_354 : i32
        %add3A_356 = arith.constant 1 : i32
        %add3A_357 = arith.addi %mul3A_355, %add3A_356 : i32
        %mul3A_358 = arith.constant 2 : i32
        %mul3A_359 = arith.muli %add3A_345, %mul3A_358 : i32
        %add3A_360 = arith.constant 1 : i32
        %add3A_361 = arith.addi %mul3A_359, %add3A_360 : i32
        %dma_start3A_362 = arith.constant 0 : i32
        %dma_start3A_363 = arith.constant 0 : i32
        %dma_start3A_364 = tpu.memref_slice %arg12[%rem3A_199, %dma_start3A_362, %dma_start3A_363] : memref<2x256x128xf32, #tpu.memory_space<vmem>> -> memref<1x128x128xf32, #tpu.memory_space<vmem>>
        %dma_start3A_365 = tpu.memref_squeeze %dma_start3A_364 : memref<1x128x128xf32, #tpu.memory_space<vmem>> -> memref<128x128xf32, #tpu.memory_space<vmem>>
        %dma_start3A_366 = arith.constant 0 : i32
        %dma_start3A_367 = tpu.memref_slice %arg9[%add3A_349, %dma_start3A_366] : memref<104x128xi32, #tpu.memory_space<vmem>> -> memref<1x128xi32, #tpu.memory_space<vmem>>
        %dma_start3A_368 = tpu.memref_squeeze %dma_start3A_367 : memref<1x128xi32, #tpu.memory_space<vmem>> -> memref<128xi32, #tpu.memory_space<vmem>>
        %dma_start3A_369 = arith.constant 0 : i32
        %dma_start3A_370 = arith.constant 0 : i32
        %dma_start3A_371 = tpu.memref_slice %arg2[%dma_start3A_369, %dma_start3A_370] : memref<325000x128xf32, #tpu.memory_space<hbm>> -> memref<325000x128xf32, #tpu.memory_space<hbm>>
        %dma_start3A_372 = tpu.memref_slice %arg15[%rem3A_199] : memref<2x!tpu.dma_semaphore, #tpu.memory_space<semaphore_mem>> -> memref<1x!tpu.dma_semaphore, #tpu.memory_space<semaphore_mem>>
        %dma_start3A_373 = tpu.memref_squeeze %dma_start3A_372 : memref<1x!tpu.dma_semaphore, #tpu.memory_space<semaphore_mem>> -> memref<!tpu.dma_semaphore, #tpu.memory_space<semaphore_mem>>
        tpu.enqueue_indirect_dma source(%dma_start3A_371 : memref<325000x128xf32, #tpu.memory_space<hbm>>) target(%dma_start3A_365 : memref<128x128xf32, #tpu.memory_space<vmem>>) offsets(%dma_start3A_368 : memref<128xi32, #tpu.memory_space<vmem>>) semaphore(%dma_start3A_373 : memref<!tpu.dma_semaphore, #tpu.memory_space<semaphore_mem>>)
        %dma_start3A_374 = arith.constant 0 : i32
        %dma_start3A_375 = arith.constant 0 : i32
        %dma_start3A_376 = tpu.memref_slice %arg14[%rem3A_199, %dma_start3A_374, %dma_start3A_375] : memref<2x2x128xf32, #tpu.memory_space<vmem>> -> memref<1x1x128xf32, #tpu.memory_space<vmem>>
        %dma_start3A_377 = tpu.memref_squeeze %dma_start3A_376 : memref<1x1x128xf32, #tpu.memory_space<vmem>> -> memref<128xf32, #tpu.memory_space<vmem>>
        %dma_start3A_378 = arith.constant 0 : i32
        %dma_start3A_379 = tpu.memref_slice %arg11[%add3A_353, %dma_start3A_378] : memref<104x128xi32, #tpu.memory_space<vmem>> -> memref<1x128xi32, #tpu.memory_space<vmem>>
        %dma_start3A_380 = tpu.memref_squeeze %dma_start3A_379 : memref<1x128xi32, #tpu.memory_space<vmem>> -> memref<128xi32, #tpu.memory_space<vmem>>
        %dma_start3A_381 = arith.constant 0 : i32
        %dma_start3A_382 = tpu.memref_slice %arg3[%dma_start3A_381] : memref<2600000xf32, #tpu.memory_space<hbm>> -> memref<2600000xf32, #tpu.memory_space<hbm>>
        %dma_start3A_383 = tpu.memref_slice %arg15[%rem3A_199] : memref<2x!tpu.dma_semaphore, #tpu.memory_space<semaphore_mem>> -> memref<1x!tpu.dma_semaphore, #tpu.memory_space<semaphore_mem>>
        %dma_start3A_384 = tpu.memref_squeeze %dma_start3A_383 : memref<1x!tpu.dma_semaphore, #tpu.memory_space<semaphore_mem>> -> memref<!tpu.dma_semaphore, #tpu.memory_space<semaphore_mem>>
        tpu.enqueue_indirect_dma source(%dma_start3A_382 : memref<2600000xf32, #tpu.memory_space<hbm>>) target(%dma_start3A_377 : memref<128xf32, #tpu.memory_space<vmem>>) offsets(%dma_start3A_380 : memref<128xi32, #tpu.memory_space<vmem>>) semaphore(%dma_start3A_384 : memref<!tpu.dma_semaphore, #tpu.memory_space<semaphore_mem>>)
        %dma_start3A_385 = arith.constant 128 : i32
        %dma_start3A_386 = arith.constant 0 : i32
        %dma_start3A_387 = tpu.memref_slice %arg12[%rem3A_199, %dma_start3A_385, %dma_start3A_386] : memref<2x256x128xf32, #tpu.memory_space<vmem>> -> memref<1x128x128xf32, #tpu.memory_space<vmem>>
        %dma_start3A_388 = tpu.memref_squeeze %dma_start3A_387 : memref<1x128x128xf32, #tpu.memory_space<vmem>> -> memref<128x128xf32, #tpu.memory_space<vmem>>
        %dma_start3A_389 = arith.constant 0 : i32
        %dma_start3A_390 = tpu.memref_slice %arg9[%add3A_357, %dma_start3A_389] : memref<104x128xi32, #tpu.memory_space<vmem>> -> memref<1x128xi32, #tpu.memory_space<vmem>>
        %dma_start3A_391 = tpu.memref_squeeze %dma_start3A_390 : memref<1x128xi32, #tpu.memory_space<vmem>> -> memref<128xi32, #tpu.memory_space<vmem>>
        %dma_start3A_392 = arith.constant 0 : i32
        %dma_start3A_393 = arith.constant 0 : i32
        %dma_start3A_394 = tpu.memref_slice %arg2[%dma_start3A_392, %dma_start3A_393] : memref<325000x128xf32, #tpu.memory_space<hbm>> -> memref<325000x128xf32, #tpu.memory_space<hbm>>
        %dma_start3A_395 = tpu.memref_slice %arg15[%rem3A_199] : memref<2x!tpu.dma_semaphore, #tpu.memory_space<semaphore_mem>> -> memref<1x!tpu.dma_semaphore, #tpu.memory_space<semaphore_mem>>
        %dma_start3A_396 = tpu.memref_squeeze %dma_start3A_395 : memref<1x!tpu.dma_semaphore, #tpu.memory_space<semaphore_mem>> -> memref<!tpu.dma_semaphore, #tpu.memory_space<semaphore_mem>>
        tpu.enqueue_indirect_dma source(%dma_start3A_394 : memref<325000x128xf32, #tpu.memory_space<hbm>>) target(%dma_start3A_388 : memref<128x128xf32, #tpu.memory_space<vmem>>) offsets(%dma_start3A_391 : memref<128xi32, #tpu.memory_space<vmem>>) semaphore(%dma_start3A_396 : memref<!tpu.dma_semaphore, #tpu.memory_space<semaphore_mem>>)
        %dma_start3A_397 = arith.constant 1 : i32
        %dma_start3A_398 = arith.constant 0 : i32
        %dma_start3A_399 = tpu.memref_slice %arg14[%rem3A_199, %dma_start3A_397, %dma_start3A_398] : memref<2x2x128xf32, #tpu.memory_space<vmem>> -> memref<1x1x128xf32, #tpu.memory_space<vmem>>
        %dma_start3A_400 = tpu.memref_squeeze %dma_start3A_399 : memref<1x1x128xf32, #tpu.memory_space<vmem>> -> memref<128xf32, #tpu.memory_space<vmem>>
        %dma_start3A_401 = arith.constant 0 : i32
        %dma_start3A_402 = tpu.memref_slice %arg11[%add3A_361, %dma_start3A_401] : memref<104x128xi32, #tpu.memory_space<vmem>> -> memref<1x128xi32, #tpu.memory_space<vmem>>
        %dma_start3A_403 = tpu.memref_squeeze %dma_start3A_402 : memref<1x128xi32, #tpu.memory_space<vmem>> -> memref<128xi32, #tpu.memory_space<vmem>>
        %dma_start3A_404 = arith.constant 0 : i32
        %dma_start3A_405 = tpu.memref_slice %arg3[%dma_start3A_404] : memref<2600000xf32, #tpu.memory_space<hbm>> -> memref<2600000xf32, #tpu.memory_space<hbm>>
        %dma_start3A_406 = tpu.memref_slice %arg15[%rem3A_199] : memref<2x!tpu.dma_semaphore, #tpu.memory_space<semaphore_mem>> -> memref<1x!tpu.dma_semaphore, #tpu.memory_space<semaphore_mem>>
        %dma_start3A_407 = tpu.memref_squeeze %dma_start3A_406 : memref<1x!tpu.dma_semaphore, #tpu.memory_space<semaphore_mem>> -> memref<!tpu.dma_semaphore, #tpu.memory_space<semaphore_mem>>
        tpu.enqueue_indirect_dma source(%dma_start3A_405 : memref<2600000xf32, #tpu.memory_space<hbm>>) target(%dma_start3A_400 : memref<128xf32, #tpu.memory_space<vmem>>) offsets(%dma_start3A_403 : memref<128xi32, #tpu.memory_space<vmem>>) semaphore(%dma_start3A_407 : memref<!tpu.dma_semaphore, #tpu.memory_space<semaphore_mem>>)
      } else {
      }
    }
    %scan3A_122 = arith.constant 52 : i32
    %add3A_123 = arith.constant 100 : i32
    %add3A_124 = arith.addi %mul3A_2, %add3A_123 : i32
    %mul3A_125 = arith.constant 16 : i32
    %mul3A_126 = arith.muli %add3A_124, %mul3A_125 : i32
    %add3A_127 = arith.constant 100 : i32
    %add3A_128 = arith.addi %mul3A_2, %add3A_127 : i32
    %dma_wait3A = arith.constant 0 : i32
    %dma_wait3A_129 = arith.constant 0 : i32
    %dma_wait3A_130 = arith.constant 0 : i32
    %dma_wait3A_131 = arith.constant 0 : i32
    %dma_wait3A_132 = tpu.memref_slice %arg13[%dma_wait3A, %dma_wait3A_130, %dma_wait3A_131] : memref<2x32x128xf32, #tpu.memory_space<vmem>> -> memref<1x32x128xf32, #tpu.memory_space<vmem>>
    %dma_wait3A_133 = tpu.memref_squeeze %dma_wait3A_132 : memref<1x32x128xf32, #tpu.memory_space<vmem>> -> memref<32x128xf32, #tpu.memory_space<vmem>>
    %dma_wait3A_134 = arith.constant 0 : i32
    %dma_wait3A_135 = tpu.memref_slice %arg7[%mul3A_126, %dma_wait3A_134] : memref<53248x128xf32, #tpu.memory_space<hbm>> -> memref<32x128xf32, #tpu.memory_space<hbm>>
    %dma_wait3A_136 = tpu.memref_slice %arg16[%dma_wait3A_129] : memref<2x!tpu.dma_semaphore, #tpu.memory_space<semaphore_mem>> -> memref<1x!tpu.dma_semaphore, #tpu.memory_space<semaphore_mem>>
    %dma_wait3A_137 = tpu.memref_squeeze %dma_wait3A_136 : memref<1x!tpu.dma_semaphore, #tpu.memory_space<semaphore_mem>> -> memref<!tpu.dma_semaphore, #tpu.memory_space<semaphore_mem>>
    %dma_wait3A_138 = arith.constant 0 : i32
    %dma_wait3A_139 = tpu.memref_slice %arg7[%mul3A_126, %dma_wait3A_138] : memref<53248x128xf32, #tpu.memory_space<hbm>> -> memref<32x128xf32, #tpu.memory_space<hbm>>
    %dma_wait3A_140 = arith.constant 0 : i32
    %dma_wait3A_141 = arith.constant 0 : i32
    %dma_wait3A_142 = tpu.memref_slice %arg13[%dma_wait3A, %dma_wait3A_140, %dma_wait3A_141] : memref<2x32x128xf32, #tpu.memory_space<vmem>> -> memref<1x32x128xf32, #tpu.memory_space<vmem>>
    %dma_wait3A_143 = tpu.memref_squeeze %dma_wait3A_142 : memref<1x32x128xf32, #tpu.memory_space<vmem>> -> memref<32x128xf32, #tpu.memory_space<vmem>>
    tpu.wait_dma2 semaphore(%dma_wait3A_137 : memref<!tpu.dma_semaphore, #tpu.memory_space<semaphore_mem>>) src(%dma_wait3A_143 : memref<32x128xf32, #tpu.memory_space<vmem>>) dst(%dma_wait3A_139 : memref<32x128xf32, #tpu.memory_space<hbm>>)
    %dma_wait3A_144 = arith.constant 0 : i32
    %dma_wait3A_145 = arith.constant 0 : i32
    %dma_wait3A_146 = arith.constant 0 : i32
    %dma_wait3A_147 = arith.constant 0 : i32
    %dma_wait3A_148 = tpu.memref_slice %arg14[%dma_wait3A_144, %dma_wait3A_146, %dma_wait3A_147] : memref<2x2x128xf32, #tpu.memory_space<vmem>> -> memref<1x2x128xf32, #tpu.memory_space<vmem>>
    %dma_wait3A_149 = tpu.memref_squeeze %dma_wait3A_148 : memref<1x2x128xf32, #tpu.memory_space<vmem>> -> memref<2x128xf32, #tpu.memory_space<vmem>>
    %dma_wait3A_150 = arith.constant 0 : i32
    %dma_wait3A_151 = tpu.memref_slice %arg8[%add3A_128, %dma_wait3A_150] : memref<3328x128xf32, #tpu.memory_space<hbm>> -> memref<2x128xf32, #tpu.memory_space<hbm>>
    %dma_wait3A_152 = tpu.memref_slice %arg16[%dma_wait3A_145] : memref<2x!tpu.dma_semaphore, #tpu.memory_space<semaphore_mem>> -> memref<1x!tpu.dma_semaphore, #tpu.memory_space<semaphore_mem>>
    %dma_wait3A_153 = tpu.memref_squeeze %dma_wait3A_152 : memref<1x!tpu.dma_semaphore, #tpu.memory_space<semaphore_mem>> -> memref<!tpu.dma_semaphore, #tpu.memory_space<semaphore_mem>>
    %dma_wait3A_154 = arith.constant 0 : i32
    %dma_wait3A_155 = tpu.memref_slice %arg8[%add3A_128, %dma_wait3A_154] : memref<3328x128xf32, #tpu.memory_space<hbm>> -> memref<2x128xf32, #tpu.memory_space<hbm>>
    %dma_wait3A_156 = arith.constant 0 : i32
    %dma_wait3A_157 = arith.constant 0 : i32
    %dma_wait3A_158 = tpu.memref_slice %arg14[%dma_wait3A_144, %dma_wait3A_156, %dma_wait3A_157] : memref<2x2x128xf32, #tpu.memory_space<vmem>> -> memref<1x2x128xf32, #tpu.memory_space<vmem>>
    %dma_wait3A_159 = tpu.memref_squeeze %dma_wait3A_158 : memref<1x2x128xf32, #tpu.memory_space<vmem>> -> memref<2x128xf32, #tpu.memory_space<vmem>>
    tpu.wait_dma2 semaphore(%dma_wait3A_153 : memref<!tpu.dma_semaphore, #tpu.memory_space<semaphore_mem>>) src(%dma_wait3A_159 : memref<2x128xf32, #tpu.memory_space<vmem>>) dst(%dma_wait3A_155 : memref<2x128xf32, #tpu.memory_space<hbm>>)
    %add3A_160 = arith.constant 102 : i32
    %add3A_161 = arith.addi %mul3A_2, %add3A_160 : i32
    %mul3A_162 = arith.constant 16 : i32
    %mul3A_163 = arith.muli %add3A_161, %mul3A_162 : i32
    %add3A_164 = arith.constant 102 : i32
    %add3A_165 = arith.addi %mul3A_2, %add3A_164 : i32
    %dma_wait3A_166 = arith.constant 1 : i32
    %dma_wait3A_167 = arith.constant 1 : i32
    %dma_wait3A_168 = arith.constant 0 : i32
    %dma_wait3A_169 = arith.constant 0 : i32
    %dma_wait3A_170 = tpu.memref_slice %arg13[%dma_wait3A_166, %dma_wait3A_168, %dma_wait3A_169] : memref<2x32x128xf32, #tpu.memory_space<vmem>> -> memref<1x32x128xf32, #tpu.memory_space<vmem>>
    %dma_wait3A_171 = tpu.memref_squeeze %dma_wait3A_170 : memref<1x32x128xf32, #tpu.memory_space<vmem>> -> memref<32x128xf32, #tpu.memory_space<vmem>>
    %dma_wait3A_172 = arith.constant 0 : i32
    %dma_wait3A_173 = tpu.memref_slice %arg7[%mul3A_163, %dma_wait3A_172] : memref<53248x128xf32, #tpu.memory_space<hbm>> -> memref<32x128xf32, #tpu.memory_space<hbm>>
    %dma_wait3A_174 = tpu.memref_slice %arg16[%dma_wait3A_167] : memref<2x!tpu.dma_semaphore, #tpu.memory_space<semaphore_mem>> -> memref<1x!tpu.dma_semaphore, #tpu.memory_space<semaphore_mem>>
    %dma_wait3A_175 = tpu.memref_squeeze %dma_wait3A_174 : memref<1x!tpu.dma_semaphore, #tpu.memory_space<semaphore_mem>> -> memref<!tpu.dma_semaphore, #tpu.memory_space<semaphore_mem>>
    %dma_wait3A_176 = arith.constant 0 : i32
    %dma_wait3A_177 = tpu.memref_slice %arg7[%mul3A_163, %dma_wait3A_176] : memref<53248x128xf32, #tpu.memory_space<hbm>> -> memref<32x128xf32, #tpu.memory_space<hbm>>
    %dma_wait3A_178 = arith.constant 0 : i32
    %dma_wait3A_179 = arith.constant 0 : i32
    %dma_wait3A_180 = tpu.memref_slice %arg13[%dma_wait3A_166, %dma_wait3A_178, %dma_wait3A_179] : memref<2x32x128xf32, #tpu.memory_space<vmem>> -> memref<1x32x128xf32, #tpu.memory_space<vmem>>
    %dma_wait3A_181 = tpu.memref_squeeze %dma_wait3A_180 : memref<1x32x128xf32, #tpu.memory_space<vmem>> -> memref<32x128xf32, #tpu.memory_space<vmem>>
    tpu.wait_dma2 semaphore(%dma_wait3A_175 : memref<!tpu.dma_semaphore, #tpu.memory_space<semaphore_mem>>) src(%dma_wait3A_181 : memref<32x128xf32, #tpu.memory_space<vmem>>) dst(%dma_wait3A_177 : memref<32x128xf32, #tpu.memory_space<hbm>>)
    %dma_wait3A_182 = arith.constant 1 : i32
    %dma_wait3A_183 = arith.constant 1 : i32
    %dma_wait3A_184 = arith.constant 0 : i32
    %dma_wait3A_185 = arith.constant 0 : i32
    %dma_wait3A_186 = tpu.memref_slice %arg14[%dma_wait3A_182, %dma_wait3A_184, %dma_wait3A_185] : memref<2x2x128xf32, #tpu.memory_space<vmem>> -> memref<1x2x128xf32, #tpu.memory_space<vmem>>
    %dma_wait3A_187 = tpu.memref_squeeze %dma_wait3A_186 : memref<1x2x128xf32, #tpu.memory_space<vmem>> -> memref<2x128xf32, #tpu.memory_space<vmem>>
    %dma_wait3A_188 = arith.constant 0 : i32
    %dma_wait3A_189 = tpu.memref_slice %arg8[%add3A_165, %dma_wait3A_188] : memref<3328x128xf32, #tpu.memory_space<hbm>> -> memref<2x128xf32, #tpu.memory_space<hbm>>
    %dma_wait3A_190 = tpu.memref_slice %arg16[%dma_wait3A_183] : memref<2x!tpu.dma_semaphore, #tpu.memory_space<semaphore_mem>> -> memref<1x!tpu.dma_semaphore, #tpu.memory_space<semaphore_mem>>
    %dma_wait3A_191 = tpu.memref_squeeze %dma_wait3A_190 : memref<1x!tpu.dma_semaphore, #tpu.memory_space<semaphore_mem>> -> memref<!tpu.dma_semaphore, #tpu.memory_space<semaphore_mem>>
    %dma_wait3A_192 = arith.constant 0 : i32
    %dma_wait3A_193 = tpu.memref_slice %arg8[%add3A_165, %dma_wait3A_192] : memref<3328x128xf32, #tpu.memory_space<hbm>> -> memref<2x128xf32, #tpu.memory_space<hbm>>
    %dma_wait3A_194 = arith.constant 0 : i32
    %dma_wait3A_195 = arith.constant 0 : i32
    %dma_wait3A_196 = tpu.memref_slice %arg14[%dma_wait3A_182, %dma_wait3A_194, %dma_wait3A_195] : memref<2x2x128xf32, #tpu.memory_space<vmem>> -> memref<1x2x128xf32, #tpu.memory_space<vmem>>
    %dma_wait3A_197 = tpu.memref_squeeze %dma_wait3A_196 : memref<1x2x128xf32, #tpu.memory_space<vmem>> -> memref<2x128xf32, #tpu.memory_space<vmem>>
    tpu.wait_dma2 semaphore(%dma_wait3A_191 : memref<!tpu.dma_semaphore, #tpu.memory_space<semaphore_mem>>) src(%dma_wait3A_197 : memref<2x128xf32, #tpu.memory_space<vmem>>) dst(%dma_wait3A_193 : memref<2x128xf32, #tpu.memory_space<hbm>>)
    return
  }
}

module attributes {stable_mosaic.version = 14 : i64} {
  func.func @_tc_mlp_kernel(%arg0: i32, %arg1: memref<512x13xf32, #tpu.memory_space<vmem>>, %arg2: memref<512x416xf32, #tpu.memory_space<vmem>>, %arg3: memref<512x26xf32, #tpu.memory_space<vmem>>, %arg4: memref<13x64xf32, #tpu.memory_space<vmem>>, %arg5: memref<416x64xf32, #tpu.memory_space<vmem>>, %arg6: memref<1x64xf32, #tpu.memory_space<vmem>>, %arg7: memref<64x32xf32, #tpu.memory_space<vmem>>, %arg8: memref<1x32xf32, #tpu.memory_space<vmem>>, %arg9: memref<32x1xf32, #tpu.memory_space<vmem>>, %arg10: memref<1x1xf32, #tpu.memory_space<vmem>>, %arg11: memref<13x1xf32, #tpu.memory_space<vmem>>, %arg12: memref<512x1xf32, #tpu.memory_space<vmem>>) attributes {dimension_semantics = [#tpu.dimension_semantics<parallel>], iteration_bounds = array<i64: 32>, scalar_prefetch = 0 : i64, scratch_operands = 0 : i64, tpu.core_type = #tpu.core_type<tc>, window_params = [{transform_indices = @transform_0, window_bounds = array<i64: 512, 13>}, {transform_indices = @transform_1, window_bounds = array<i64: 512, 416>}, {transform_indices = @transform_2, window_bounds = array<i64: 512, 26>}, {pipeline_mode = #tpu.pipeline_mode<synchronous>, transform_indices = @transform_3, window_bounds = array<i64: 13, 64>}, {pipeline_mode = #tpu.pipeline_mode<synchronous>, transform_indices = @transform_4, window_bounds = array<i64: 416, 64>}, {pipeline_mode = #tpu.pipeline_mode<synchronous>, transform_indices = @transform_5, window_bounds = array<i64: 1, 64>}, {pipeline_mode = #tpu.pipeline_mode<synchronous>, transform_indices = @transform_6, window_bounds = array<i64: 64, 32>}, {pipeline_mode = #tpu.pipeline_mode<synchronous>, transform_indices = @transform_7, window_bounds = array<i64: 1, 32>}, {pipeline_mode = #tpu.pipeline_mode<synchronous>, transform_indices = @transform_8, window_bounds = array<i64: 32, 1>}, {pipeline_mode = #tpu.pipeline_mode<synchronous>, transform_indices = @transform_9, window_bounds = array<i64: 1, 1>}, {pipeline_mode = #tpu.pipeline_mode<synchronous>, transform_indices = @transform_10, window_bounds = array<i64: 13, 1>}, {transform_indices = @transform_11, window_bounds = array<i64: 512, 1>}]} {
    %get3A = arith.constant 0 : index
    %get3A_0 = arith.constant 0 : index
    %get3A_1 = vector.load %arg1[%get3A, %get3A_0] : memref<512x13xf32, #tpu.memory_space<vmem>>, vector<512x13xf32>
    %get3A_2 = arith.constant 0 : index
    %get3A_3 = arith.constant 0 : index
    %get3A_4 = vector.load %arg2[%get3A_2, %get3A_3] : memref<512x416xf32, #tpu.memory_space<vmem>>, vector<512x416xf32>
    %get3A_5 = arith.constant 0 : index
    %get3A_6 = arith.constant 0 : index
    %get3A_7 = vector.load %arg4[%get3A_5, %get3A_6] : memref<13x64xf32, #tpu.memory_space<vmem>>, vector<13x64xf32>
    %dot_general3A = arith.constant dense<0.000000e+00> : vector<512x64xf32>
    %dot_general3A_8 = tpu.matmul %get3A_1, %get3A_7, %dot_general3A {dimension_numbers = #tpu.dot_dimension_numbers<[1], [0], [0], [1], [0, 0, 1, 1], [], []>, transpose_lhs_hint = false} : vector<512x13xf32>, vector<13x64xf32>, vector<512x64xf32> -> vector<512x64xf32>
    %get3A_9 = arith.constant 0 : index
    %get3A_10 = arith.constant 0 : index
    %get3A_11 = vector.load %arg5[%get3A_9, %get3A_10] : memref<416x64xf32, #tpu.memory_space<vmem>>, vector<416x64xf32>
    %dot_general3A_12 = arith.constant dense<0.000000e+00> : vector<512x64xf32>
    %dot_general3A_13 = tpu.matmul %get3A_4, %get3A_11, %dot_general3A_12 {dimension_numbers = #tpu.dot_dimension_numbers<[1], [0], [0], [1], [0, 0, 1, 1], [], []>, transpose_lhs_hint = false} : vector<512x416xf32>, vector<416x64xf32>, vector<512x64xf32> -> vector<512x64xf32>
    %add3A = arith.addf %dot_general3A_8, %dot_general3A_13 : vector<512x64xf32>
    %get3A_14 = arith.constant 0 : index
    %get3A_15 = arith.constant 0 : index
    %get3A_16 = vector.load %arg6[%get3A_14, %get3A_15] : memref<1x64xf32, #tpu.memory_space<vmem>>, vector<1x64xf32>
    %add3A_17 = vector.broadcast %get3A_16 : vector<1x64xf32> to vector<512x64xf32>
    %add3A_18 = arith.addf %add3A, %add3A_17 : vector<512x64xf32>
    %max3A = arith.constant 0.000000e+00 : f32
    %max3A_19 = vector.broadcast %max3A : f32 to vector<512x64xf32>
    %max3A_20 = arith.maximumf %add3A_18, %max3A_19 : vector<512x64xf32>
    %get3A_21 = arith.constant 0 : index
    %get3A_22 = arith.constant 0 : index
    %get3A_23 = vector.load %arg7[%get3A_21, %get3A_22] : memref<64x32xf32, #tpu.memory_space<vmem>>, vector<64x32xf32>
    %dot_general3A_24 = arith.constant dense<0.000000e+00> : vector<512x32xf32>
    %dot_general3A_25 = tpu.matmul %max3A_20, %get3A_23, %dot_general3A_24 {dimension_numbers = #tpu.dot_dimension_numbers<[1], [0], [0], [1], [0, 0, 1, 1], [], []>, transpose_lhs_hint = false} : vector<512x64xf32>, vector<64x32xf32>, vector<512x32xf32> -> vector<512x32xf32>
    %get3A_26 = arith.constant 0 : index
    %get3A_27 = arith.constant 0 : index
    %get3A_28 = vector.load %arg8[%get3A_26, %get3A_27] : memref<1x32xf32, #tpu.memory_space<vmem>>, vector<1x32xf32>
    %add3A_29 = vector.broadcast %get3A_28 : vector<1x32xf32> to vector<512x32xf32>
    %add3A_30 = arith.addf %dot_general3A_25, %add3A_29 : vector<512x32xf32>
    %max3A_31 = arith.constant 0.000000e+00 : f32
    %max3A_32 = vector.broadcast %max3A_31 : f32 to vector<512x32xf32>
    %max3A_33 = arith.maximumf %add3A_30, %max3A_32 : vector<512x32xf32>
    %get3A_34 = arith.constant 0 : index
    %get3A_35 = arith.constant 0 : index
    %get3A_36 = vector.load %arg9[%get3A_34, %get3A_35] : memref<32x1xf32, #tpu.memory_space<vmem>>, vector<32x1xf32>
    %dot_general3A_37 = arith.constant dense<0.000000e+00> : vector<512x1xf32>
    %dot_general3A_38 = tpu.matmul %max3A_33, %get3A_36, %dot_general3A_37 {dimension_numbers = #tpu.dot_dimension_numbers<[1], [0], [0], [1], [0, 0, 1, 1], [], []>, transpose_lhs_hint = false} : vector<512x32xf32>, vector<32x1xf32>, vector<512x1xf32> -> vector<512x1xf32>
    %get3A_39 = arith.constant 0 : index
    %get3A_40 = arith.constant 0 : index
    %get3A_41 = vector.load %arg10[%get3A_39, %get3A_40] : memref<1x1xf32, #tpu.memory_space<vmem>>, vector<1x1xf32>
    %add3A_42 = vector.broadcast %get3A_41 : vector<1x1xf32> to vector<512x1xf32>
    %add3A_43 = arith.addf %dot_general3A_38, %add3A_42 : vector<512x1xf32>
    %get3A_44 = arith.constant 0 : index
    %get3A_45 = arith.constant 0 : index
    %get3A_46 = vector.load %arg11[%get3A_44, %get3A_45] : memref<13x1xf32, #tpu.memory_space<vmem>>, vector<13x1xf32>
    %dot_general3A_47 = arith.constant dense<0.000000e+00> : vector<512x1xf32>
    %dot_general3A_48 = tpu.matmul %get3A_1, %get3A_46, %dot_general3A_47 {dimension_numbers = #tpu.dot_dimension_numbers<[1], [0], [0], [1], [0, 0, 1, 1], [], []>, transpose_lhs_hint = false} : vector<512x13xf32>, vector<13x1xf32>, vector<512x1xf32> -> vector<512x1xf32>
    %get3A_49 = arith.constant 0 : index
    %get3A_50 = arith.constant 0 : index
    %get3A_51 = vector.load %arg3[%get3A_49, %get3A_50] : memref<512x26xf32, #tpu.memory_space<vmem>>, vector<512x26xf32>
    %reduce_sum3A = arith.constant dense<0.000000e+00> : vector<512xf32>
    %reduce_sum3A_52 = vector.multi_reduction <add>, %get3A_51, %reduce_sum3A [1] : vector<512x26xf32> to vector<512xf32>
    %broadcast_in_dim3A = vector.shape_cast %reduce_sum3A_52 : vector<512xf32> to vector<512x1xf32>
    %add3A_53 = arith.addf %dot_general3A_48, %broadcast_in_dim3A : vector<512x1xf32>
    %add3A_54 = arith.addf %add3A_53, %add3A_43 : vector<512x1xf32>
    %mul3A = arith.constant 5.000000e-01 : f32
    %mul3A_55 = vector.broadcast %mul3A : f32 to vector<512x1xf32>
    %mul3A_56 = arith.mulf %mul3A_55, %add3A_54 : vector<512x1xf32>
    %logistic3A = arith.negf %mul3A_56 : vector<512x1xf32>
    %logistic3A_57 = math.exp %logistic3A : vector<512x1xf32>
    %logistic3A_58 = arith.constant 1.000000e+00 : f32
    %logistic3A_59 = vector.broadcast %logistic3A_58 : f32 to vector<512x1xf32>
    %logistic3A_60 = arith.addf %logistic3A_59, %logistic3A_57 : vector<512x1xf32>
    %logistic3A_61 = arith.divf %logistic3A_59, %logistic3A_60 : vector<512x1xf32>
    %swap3A = arith.constant 0 : index
    %swap3A_62 = arith.constant 0 : index
    %swap3A_63 = vector.load %arg12[%swap3A, %swap3A_62] : memref<512x1xf32, #tpu.memory_space<vmem>>, vector<512x1xf32>
    tpu.vector_store %arg12[%swap3A, %swap3A_62], %logistic3A_61 {strides = array<i32>} : memref<512x1xf32, #tpu.memory_space<vmem>>, vector<512x1xf32>,
    return
  }
  func.func @transform_0(%arg0: i32) -> (i32, i32) {
    %c0_i32 = arith.constant 0 : i32
    %c0_i32_0 = arith.constant 0 : i32
    return %arg0, %c0_i32 : i32, i32
  }
  func.func @transform_1(%arg0: i32) -> (i32, i32) {
    %c0_i32 = arith.constant 0 : i32
    %c0_i32_0 = arith.constant 0 : i32
    return %arg0, %c0_i32 : i32, i32
  }
  func.func @transform_2(%arg0: i32) -> (i32, i32) {
    %c0_i32 = arith.constant 0 : i32
    %c0_i32_0 = arith.constant 0 : i32
    return %arg0, %c0_i32 : i32, i32
  }
  func.func @transform_3(%arg0: i32) -> (i32, i32) {
    %c0_i32 = arith.constant 0 : i32
    %c0_i32_0 = arith.constant 0 : i32
    %c0_i32_1 = arith.constant 0 : i32
    return %c0_i32, %c0_i32_0 : i32, i32
  }
  func.func @transform_4(%arg0: i32) -> (i32, i32) {
    %c0_i32 = arith.constant 0 : i32
    %c0_i32_0 = arith.constant 0 : i32
    %c0_i32_1 = arith.constant 0 : i32
    return %c0_i32, %c0_i32_0 : i32, i32
  }
  func.func @transform_5(%arg0: i32) -> (i32, i32) {
    %c0_i32 = arith.constant 0 : i32
    %c0_i32_0 = arith.constant 0 : i32
    %c0_i32_1 = arith.constant 0 : i32
    return %c0_i32, %c0_i32_0 : i32, i32
  }
  func.func @transform_6(%arg0: i32) -> (i32, i32) {
    %c0_i32 = arith.constant 0 : i32
    %c0_i32_0 = arith.constant 0 : i32
    %c0_i32_1 = arith.constant 0 : i32
    return %c0_i32, %c0_i32_0 : i32, i32
  }
  func.func @transform_7(%arg0: i32) -> (i32, i32) {
    %c0_i32 = arith.constant 0 : i32
    %c0_i32_0 = arith.constant 0 : i32
    %c0_i32_1 = arith.constant 0 : i32
    return %c0_i32, %c0_i32_0 : i32, i32
  }
  func.func @transform_8(%arg0: i32) -> (i32, i32) {
    %c0_i32 = arith.constant 0 : i32
    %c0_i32_0 = arith.constant 0 : i32
    %c0_i32_1 = arith.constant 0 : i32
    return %c0_i32, %c0_i32_0 : i32, i32
  }
  func.func @transform_9(%arg0: i32) -> (i32, i32) {
    %c0_i32 = arith.constant 0 : i32
    %c0_i32_0 = arith.constant 0 : i32
    %c0_i32_1 = arith.constant 0 : i32
    return %c0_i32, %c0_i32_0 : i32, i32
  }
  func.func @transform_10(%arg0: i32) -> (i32, i32) {
    %c0_i32 = arith.constant 0 : i32
    %c0_i32_0 = arith.constant 0 : i32
    %c0_i32_1 = arith.constant 0 : i32
    return %c0_i32, %c0_i32_0 : i32, i32
  }
  func.func @transform_11(%arg0: i32) -> (i32, i32) {
    %c0_i32 = arith.constant 0 : i32
    %c0_i32_0 = arith.constant 0 : i32
    return %arg0, %c0_i32 : i32, i32
  }
}

</mosaic_0001>

<sc_bundles>
// kernel: kernel.4.cloned.1.call-start
scs
__scs_entry_jumppad:
0x0: {  	(pc) =	sbr.rel $0x88, $3  }
0x1: {  	(tag) =	ssettag $0x0;
	lr =	simm.s32 $0x1  }
0x2: {  	[smem:$0x3F97] =	sst lr;
	_ =	strace $0xD0000000  }
0x3: {  	_ = 	snop  }
0x4: {  	_ = 	snop  }
0x5: {  	_ = 	snop  }
0x6: {  	_ = 	snop  }
0x7: {  	_ = 	snop  }
__scs_overlays_trampoline_lowered:
0x8: {  	[smem:$0x3FA6] =	sst s0  }
0x9: {  	[smem:$0x3FA7] =	sst s1  }
0xa: {  	[smem:$0x3FA8] =	sst s2  }
0xb: {  	[smem:$0x3FA9] =	sst s3  }
0xc: {  	[smem:$0x3FAA] =	sst s4  }
0xd: {  	[smem:$0x3FAB] =	sst s5  }
0xe: {  	[smem:$0x3FAC] =	sst s6  }
0xf: {  	[smem:$0x3FAD] =	sst s7  }
0x10: {  	[smem:$0x3FAE] =	sst s8  }
0x11: {  	[smem:$0x3FAF] =	sst s9;
	s0 =	simm.s32 @!p0 $0x0  }
0x12: {  	s1 =	sld [smem:$0x3F95];
	s0 =	simm.s32 @p0 $0x1  }
0x13: {  	[smem:$0x3FB0] =	sst s0;
	s0 =	simm.s32 @!p1 $0x0  }
0x14: {  	s2 =	sld [smem:$0x3F94];
	s0 =	simm.s32 @p1 $0x1  }
0x15: {  	[smem:$0x3FB1] =	sst s0;
	s0 =	simm.s32 @!p2 $0x0  }
0x16: {  	s3 =	sld [smem:$0x3FDB];
	s0 =	simm.s32 @p2 $0x1  }
0x17: {  	s4 =	simm.s32 $0x1BF5;
	[smem:$0x3FB3] =	sst s0  }
0x18: {  	s0 =	sld [smem:$0x3F96];
	_ =	swait.ge [sflag:s4], $0x0  }
0x19: {  	s7 =	sld [smem:$0x3F97]  }
0x1a: {  	s8 =	sadd.s32 $0xFFFFE003, lr  }
0x1b: {  	s9 =	sadd.s32 $0xFFFFFEF7, lr;
	s5 =	simm.s32 $0xFFFFFFFF;
	p2 =	slt.u32 s8, $0xFFFFF086  }
0x1c: {  	p1 =	slt.u32 s9, $0xF7A;
	s5 =	simm.s32 @!p2 $0x0  }
0x1d: {  	s5 =	simm.s32 @p1 $0x1;
	p0 =	seq.s32 s7, s2  }
0x1e: {  	s7 =	smul.u32 @!p0 $0xF7A, s2;
	p2 =	seq.s32 @!p0 s5, $0x0  }
0x1f: {  	s9 =	smul.u32 $0xF7A, s1;
	s8 =	simm.s32 @!p0 $0x1BF5;
	p2 =	por !p2, p0  }
0x20: {  	[sflag:s8] =	ssyncset.s32 @!p0 $0xFFFFF086;
	s6 =	sadd.s32 @!p0 s3, s7;
	s7 =	simm.s32 @!p0 $0x108  }
0x21: {  	s3 =	sadd.s32 s3, s9;
	s6 =	sadd.s32 @!p0 $0x88, s6;
	s7 =	simm.s32 @p2 $0x1082  }
0x22: {  	[simem:s7], [sflag:s8] =	dma.local @!p0 [hbm:s6], $0xF7A  }
0x23: {  	s9 =	sor.u32 $0xD0000000, s2;
	s6 =	simm.s32 $0x108;
	_ =	swait.ge @!p0 [sflag:s8], $0x0  }
0x24: {  	s3 =	sadd.s32 $0x88, s3;
	s6 =	simm.s32 @!p1 $0x1082;
	[sflag:s4] =	ssyncset.s32 $0xFFFFF086  }
0x25: {  	[simem:s6], [sflag:s4] =	dma.local [hbm:s3], $0xF7A  }
0x26: {  	[smem:$0x3F97] =	sst s1;
	(tag) =	ssettag s2;
	_ =	strace s9  }
0x27: {  	s1 =	sld [smem:$0x3FA7]  }
0x28: {  	s2 =	sld [smem:$0x3FA8]  }
0x29: {  	s4 =	sld [smem:$0x3FAA]  }
0x2a: {  	p0 =	seq.s32 s5, $0x0;
	s5 =	sld [smem:$0x3FAB]  }
0x2b: {  	s6 =	sld [smem:$0x3FAC]  }
0x2c: {  	s7 =	sld [smem:$0x3FAD]  }
0x2d: {  	s3 =	simm.s32 $0x108;
	s8 =	sld [smem:$0x3FAE]  }
0x2e: {  	s3 =	simm.s32 @!p0 $0x1082;
	s9 =	sld [smem:$0x3FAF]  }
0x2f: {  	lr =	sadd.s32 s0, s3;
	s0 =	sld [smem:$0x3FA6]  }
0x30: {  	s3 =	sld [smem:$0x3FA9]  }
0x31: {  	[smem:$0x3FB2] =	sst s10  }
0x32: {  	s10 =	sld [smem:$0x3FB0];
	_ =	sdelay $0x3  }
0x33: {  	p0 =	seq.s32 s10, $0x1;
	s10 =	sld [smem:$0x3FB2];
	_ =	sdelay $0x3  }
0x34: {  	[smem:$0x3FB2] =	sst s10  }
0x35: {  	s10 =	sld [smem:$0x3FB1];
	_ =	sdelay $0x3  }
0x36: {  	p1 =	seq.s32 s10, $0x1;
	s10 =	sld [smem:$0x3FB2];
	_ =	sdelay $0x3  }
0x37: {  	[smem:$0x3FB2] =	sst s10  }
0x38: {  	s10 =	sld [smem:$0x3FB3]  }
0x39: {  	_ = 	snop;
	(pc) =	sbr.ind lr, $3  }
0x3a: {  	_ = 	snop  }
0x3b: {  	_ = 	snop  }
0x3c: {  	p2 =	seq.s32 s10, $0x1;
	s10 =	sld [smem:$0x3FB2]  }
0x3d: {  	_ =	shalt  }
0x3e: {  	_ =	shalt  }
0x3f: {  	_ =	shalt  }
0x40: {  	_ =	shalt  }
0x41: {  	_ =	shalt  }
0x42: {  	_ =	shalt  }
0x43: {  	_ =	shalt  }
0x44: {  	_ =	shalt  }
0x45: {  	_ =	shalt  }
0x46: {  	_ =	shalt  }
0x47: {  	_ =	shalt  }
0x48: {  	_ =	shalt  }
0x49: {  	_ =	shalt  }
0x4a: {  	_ =	shalt  }
0x4b: {  	_ =	shalt  }
0x4c: {  	_ =	shalt  }
0x4d: {  	_ =	shalt  }
0x4e: {  	_ =	shalt  }
0x4f: {  	_ =	shalt  }
0x50: {  	_ =	shalt  }
0x51: {  	_ =	shalt  }
0x52: {  	_ =	shalt  }
0x53: {  	_ =	shalt  }
0x54: {  	_ =	shalt  }
0x55: {  	_ =	shalt  }
0x56: {  	_ =	shalt  }
0x57: {  	_ =	shalt  }
0x58: {  	_ =	shalt  }
0x59: {  	_ =	shalt  }
0x5a: {  	_ =	shalt  }
0x5b: {  	_ =	shalt  }
0x5c: {  	_ =	shalt  }
0x5d: {  	_ =	shalt  }
0x5e: {  	_ =	shalt  }
0x5f: {  	_ =	shalt  }
0x60: {  	_ =	shalt  }
0x61: {  	_ =	shalt  }
0x62: {  	_ =	shalt  }
0x63: {  	_ =	shalt  }
0x64: {  	_ =	shalt  }
0x65: {  	_ =	shalt  }
0x66: {  	_ =	shalt  }
0x67: {  	_ =	shalt  }
0x68: {  	_ =	shalt  }
0x69: {  	_ =	shalt  }
0x6a: {  	_ =	shalt  }
0x6b: {  	_ =	shalt  }
0x6c: {  	_ =	shalt  }
0x6d: {  	_ =	shalt  }
0x6e: {  	_ =	shalt  }
0x6f: {  	_ =	shalt  }
0x70: {  	_ =	shalt  }
0x71: {  	_ =	shalt  }
0x72: {  	_ =	shalt  }
0x73: {  	_ =	shalt  }
0x74: {  	_ =	shalt  }
0x75: {  	_ =	shalt  }
0x76: {  	_ =	shalt  }
0x77: {  	_ =	shalt  }
0x78: {  	_ =	shalt  }
0x79: {  	_ =	shalt  }
0x7a: {  	_ =	shalt  }
0x7b: {  	_ =	shalt  }
0x7c: {  	_ =	shalt  }
0x7d: {  	_ =	shalt  }
0x7e: {  	_ =	shalt  }
0x7f: {  	_ =	shalt  }
0x80: {  	_ =	shalt  }
0x81: {  	_ =	shalt  }
0x82: {  	_ =	shalt  }
0x83: {  	_ =	shalt  }
0x84: {  	_ =	shalt  }
0x85: {  	_ =	shalt  }
0x86: {  	_ =	shalt  }
0x87: {  	_ =	shalt  }
.Lfunc_end0:
.L_simem_size_0:
called_computation.1_lowered:
.L_overlay_start_0:
0x88: {  	s2 =	sld [smem:$0x3FD9]  }
0x89: {  	s3 =	sld [smem:$0x3FFE];
	_ =	sdelay $0x1  }
0x8a: {  	s1 =	srdreg.scid  }
0x8b: {  	s0 =	sand.u32 $0x1, s1  }
0x8c: {  	s16 =	sshll.u32 s0, $0xA;
	s2 =	sadd.s32 s3, s2  }
0x8d: {  	s2 =	sadd.s32 s2, s16  }
0x8e: {  	[smem:$0x3FBE] =	sst s2  }
0x8f: {  	_ = 	snop  }
0x90: {  	(tm) =	ssettm $0x1  }
0x91: {  	s17 =	sld [smem:$0x3FFB];
	_ =	sdelay $0x3  }
0x92: {  	_ =	strace s17  }
0x93: {  	s2 =	sld [smem:$0x3FFC];
	_ =	sdelay $0x3  }
0x94: {  	_ =	strace s2  }
0x95: {  	s2 =	sld [smem:$0x3FFD];
	_ =	sdelay $0x3  }
0x96: {  	_ =	strace s2  }
0x97: {  	_ =	strace $0x8FFFFFFF  }
0x98: {  	s18 =	sld [smem:$0x3FDB];
	_ =	sdelay $0x1  }
0x99: {  	s19 =	simm.s32 $_scs_section_size  }
0x9a: {  	s4 =	simm.s32 $_size__tile_overlayer_lowered;
	s5 =	simm.s32 $_tile_overlayer_lowered  }
0x9b: {  	s22 =	simm.s32 $0x1BFF;
	s21 =	sshll.u32 s5, $0x1;
	s2 =	sadd.s32 s19, s18  }
0x9c: {  	s6 =	simm.s32 $0x0;
	s20 =	sshll.u32 s4, $0x1;
	s4 =	sadd.s32 s21, s2  }
0x9d: {  	[timem:s6], [sflag:s22] =	dma.local [hbm:s4], s20  }
0x9e: {  	_ =	swait.ge [sflag:s22], s20  }
0x9f: {  	s3 =	ssub.s32 $0x0, s20;
	[sflag:s22] =	ssyncset.done $0x0  }
0xa0: {  	[sflag:s22] =	ssyncadd.s32 s3;
	_ =	sdelay $0x1  }
0xa1: {  	s23 =	simm.s32 $0x1B8B  }
0xa2: {  	_ =	swait.ge [sflag:s23], $0x1  }
0xa3: {  	[sflag:s23] =	ssyncset.done $0x0  }
0xa4: {  	s25 =	simm.s32 $0x1B8E;
	s24 =	sld [smem:$0x3FFE];
	[sflag:s23] =	ssyncadd.s32 $0xFFFFFFFF  }
0xa5: {  	s26 =	simm.s32 $execute0_lowered;
	[smem:$0x3FD2] =	sst s25  }
0xa6: {  	s4 =	sshll.u32 s26, $0x1;
	_ =	strace $0x80000049;
	[dreg:$0x1] =	wrdreg $0xFFFFFFFF  }
0xa7: {  	s28 =	simm.s32 $_size_execute0_lowered;
	s2 =	sadd.s32 s2, s4;
	[dreg:$0x0] =	wrdreg $0x0  }
0xa8: {  	s4 =	sshll.u32 s28, $0x1;
	[dreg:$0x2] =	wrdreg s2  }
0xa9: {  	[dreg:$0x3] =	wrdreg s4  }
0xaa: {  	[dreg:$0x4] =	wrdreg $0xC0  }
0xab: {  	_ =	task [dreg:s6], $0x5FFFF  }
0xac: {  	[dreg:$0x1] =	wrdreg $0xFFFFFFFF  }
0xad: {  	[dreg:$0x0] =	wrdreg $0x60  }
0xae: {  	[dreg:$0x2] =	wrdreg s24  }
0xaf: {  	[dreg:$0x3] =	wrdreg $0x9  }
0xb0: {  	_ =	task.clear_ibuf [dreg:s6], $0x4FFFF;
	_ =	strace $0x90000049  }
0xb1: {  	s29 =	simm.s32 $0x9;
	_ =	strace $0x8000004B  }
0xb2: {  	_ =	swait.ge [sflag:s29], $0x1  }
0xb3: {  	[sflag:s29] =	ssyncadd.s32 $0xFFFFFFFF  }
0xb4: {  	_ =	strace $0x9000004B  }
0xb5: {  	_ =	sfence  }
0xb6: {  	s30 =	sld [smem:$0x0];
	_ =	sdelay $0x2  }
0xb7: {  	s31 =	sshll.u32 s1, $0xD;
	s1 =	sshrl.u32 s1, $0x2  }
0xb8: {  	s3 =	sand.u32 $0x4000, s31;
	s1 =	sadd.s32 s1, s30  }
0xb9: {  	s0 =	sor.u32 s3, s0;
	s1 =	sshll.u32 s1, $0x11  }
0xba: {  	s0 =	sor.u32 s1, s0  }
0xbb: {  	s0 =	sadd.s32 $0x8F2B, s0  }
0xbc: {  	[sflag:s0] =	ssyncadd.remote.s32 $0x1  }
0xbd: {  	_ =	sfence.sel $0xFFFF  }
0xbe: {  	[dreg:$0x0] =	wrdreg $0xFFFFFFFF;
	(pc) =	sbr.abs _section_cstart, $3  }
0xbf: {  	[dreg:$0x1] =	wrdreg $0xFFFFFFFF  }
0xc0: {  	_ =	task.clear_ibuf [dreg:s6], $0x2FFFF;
	_ =	strace $0x9FFFFFFF  }
0xc1: {  	(tm) =	ssettm $0x7FFFFFFF  }
tec
execute0_lowered:
.L_overlay_start_1:
0x0: {  	(tag) =	ssettag $0x1  }
0x1: {  	s0 =	srdreg.scid;
	s2 =	stileid.u32  }
0x2: {  	s0 =	sand.u32 $0x1, s0;
	s3 =	sshll.u32 s2, $0x1  }
0x3: {  	s1 =	rddreg [dreg:$0x0];
	s7 =	sor.u32 s0, s3;
	s0 =	ssub.s32 $0x2, s0  }
0x4: {  	s2 =	simm.s32 $0x0;
	s5 =	smul.u32 $0x680, s7;
	s29 =	sshrl.u32 s0, $0x1  }
0x5: {  	s4 =	sadd.s32 $0x27D6200, s1;
	s6 =	sadd.s32 $0xD2E00, s1;
	s0 =	ssub.s32 s0, s29  }
0x6: {  	[smem:$0x7FF] =	sst s2;
	s8 =	sadd.s32 s5, s1;
	s0 =	smax.u32 s0, $0x1  }
0x7: {  	_ =	strace $0x8000004A;
	s9 =	sadd.s32 $0x27AF200, s8;
	[dreg:$0x6] =	wrdreg s0  }
0x8: {  	s3 =	sadd.s32 $0x2825800, s1;
	s30 =	sadd.s32 $0x27C9200, s8;
	[dreg:$0x3] =	wrdreg s9  }
0x9: {  	s7 =	smul.u32 $0x68, s7;
	s31 =	sadd.s32 $0x27BC200, s8;
	[dreg:$0x4] =	wrdreg s30  }
0xa: {  	s5 =	sadd.s32 $0x2E00, s1;
	s1 =	simm.s32 $0x0;
	[dreg:$0x5] =	wrdreg s31  }
.LBB2_1:
0xb: {  	s0 =	rddreg [dreg:$0x3];
	s8 =	simm.s32 $0x5  }
0xc: {  	[tilespmem:s2], [sflag:$0x5] =	stream.linear.gather [hbm4b:s0+s2], $0x3400, $0x38;
	[tilespmem:$0x1BE00] =	vst v63  }
0xd: {  	_ =	swait.ge [sflag:s8], $0x3400  }
0xe: {  	[sflag:s8] =	ssyncset.done $0x0  }
0xf: {  	s9 =	simm.s32 $0x3400;
	s14 =	rddreg [dreg:$0x4];
	[sflag:s8] =	ssyncadd.s32 $0xFFFFCC00  }
0x10: {  	[tilespmem:s9], [sflag:$0x5] =	stream.linear.gather [hbm4b:s14+s2], $0x3400, $0x38;
	[tilespmem:$0x1BE00] =	vst v63  }
0x11: {  	_ =	swait.ge [sflag:s8], $0x3400  }
0x12: {  	[sflag:s8] =	ssyncset.done $0x0  }
0x13: {  	s16 =	simm.s32 $0x6800;
	s15 =	rddreg [dreg:$0x5];
	[sflag:s8] =	ssyncadd.s32 $0xFFFFCC00  }
0x14: {  	[tilespmem:s16], [sflag:$0x5] =	stream.linear.gather [hbm4b:s15+s2], $0x3400, $0x38;
	[tilespmem:$0x1BE00] =	vst v63  }
0x15: {  	_ =	swait.ge [sflag:s8], $0x3400  }
0x16: {  	[sflag:s8] =	ssyncset.done $0x0  }
0x17: {  	s17 =	simm.s32 $0x80;
	s18 =	simm.s32 $0x9C00;
	[sflag:s8] =	ssyncadd.s32 $0xFFFFCC00  }
0x18: {  	[tilespmem:s18], [sflag:$0x1] =	stream.indirect.gather [hbm4b:s3+s17], $0x80, s2, s17, $0xb8;
	[tilespmem:$0x1BE00] =	vst v63  }
0x19: {  	s19 =	simm.s32 $0x1BC00  }
0x1a: {  	[tilespmem:s19], [sflag:$0x1] =	stream.indirect.gather [hbm4b:s4+s17], $0x1, s16, s17, $0xb8;
	[tilespmem:$0x1BE00] =	vst v63  }
0x1b: {  	s20 =	simm.s32 $0xDC00  }
0x1c: {  	[tilespmem:s20], [sflag:$0x1] =	stream.indirect.gather [hbm4b:s3+s17], $0x80, s17, s17, $0xb8;
	[tilespmem:$0x1BE00] =	vst v63  }
0x1d: {  	s21 =	simm.s32 $0x6880;
	s22 =	simm.s32 $0x1BC80  }
0x1e: {  	[tilespmem:s22], [sflag:$0x1] =	stream.indirect.gather [hbm4b:s4+s17], $0x1, s21, s17, $0xb8;
	[tilespmem:$0x1BE00] =	vst v63  }
0x1f: {  	s23 =	simm.s32 $0x100;
	s24 =	simm.s32 $0x11C00  }
0x20: {  	[tilespmem:s24], [sflag:$0x2] =	stream.indirect.gather [hbm4b:s3+s17], $0x80, s23, s17, $0xb8;
	[tilespmem:$0x1BE00] =	vst v63  }
0x21: {  	s25 =	simm.s32 $0x6900;
	s26 =	simm.s32 $0x1BD00  }
0x22: {  	[tilespmem:s26], [sflag:$0x2] =	stream.indirect.gather [hbm4b:s4+s17], $0x1, s25, s17, $0xb8;
	[tilespmem:$0x1BE00] =	vst v63  }
0x23: {  	s28 =	simm.s32 $0x180;
	s29 =	simm.s32 $0x15C00;
	s30 =	simm.s32 $0x6980  }
0x24: {  	[tilespmem:s29], [sflag:$0x2] =	stream.indirect.gather [hbm4b:s3+s17], $0x80, s28, s17, $0xb8;
	[tilespmem:$0x1BE00] =	vst v63  }
0x25: {  	s31 =	simm.s32 $0x1BD80;
	p0 =	por $0x0, $0x0;
	s0 =	simm.s32 $0x0  }
0x26: {  	[tilespmem:s31], [sflag:$0x2] =	stream.indirect.gather [hbm4b:s4+s17], $0x1, s30, s17, $0xb8;
	[tilespmem:$0x1BE00] =	vst v63  }
.LBB2_2:
0x27: {  	s16 =	sand.u32 $0x1, s0  }
0x28: {  	s13 =	sadd.s32 $0x1, s16  }
0x29: {  	_ =	swait.ge [sflag:s13], $0x4000  }
0x2a: {  	[sflag:s13] =	ssyncset.done $0x0  }
0x2b: {  	[sflag:s13] =	ssyncadd.s32 $0xFFFFC000  }
0x2c: {  	_ =	swait.ge [sflag:s13], $0x80  }
0x2d: {  	[sflag:s13] =	ssyncset.done $0x0  }
0x2e: {  	[sflag:s13] =	ssyncadd.s32 $0xFFFFFF80  }
0x2f: {  	s8 =	sshll.u32 s0, $0x8;
	_ =	swait.ge [sflag:s13], $0x4000  }
0x30: {  	s8 =	sand.u32 $0x3FFFFF00, s8;
	[sflag:s13] =	ssyncset.done $0x0  }
0x31: {  	s11 =	simm.s32 $0x0;
	s8 =	sadd.s32 $0x3400, s8;
	[sflag:s13] =	ssyncadd.s32 $0xFFFFC000  }
0x32: {  	s10 =	sand.u32 $0x200, s11;
	_ =	swait.ge [sflag:s13], $0x80;
	[dreg:$0x2] =	wrdreg s8  }
0x33: {  	s10 =	sshrl.u32 s10, $0x2;
	s8 =	sand.u32 $0x1C0, s11;
	s9 =	rddreg [dreg:$0x2]  }
0x34: {  	[sflag:s13] =	ssyncset.done $0x0;
	s8 =	sshrl.u32 s8, $0x2;
	s9 =	sadd.s32 s10, s9  }
0x35: {  	[sflag:s13] =	ssyncadd.s32 $0xFFFFFF80;
	s8 =	sadd.s32 s8, s9  }
0x36: {  	v0 =	vld [tilespmem:s8+$0x0];
	_ =	sdelay $0x4  }
0x37: {  	(v2sf) =	vpush v0, $0x0;
	_ =	sdelay $0x5  }
0x38: {  	(v2sf) =	vpush v0, $0x1;
	_ =	sdelay $0x5  }
0x39: {  	(v2sf) =	vpush v0, $0x2;
	_ =	sdelay $0x2  }
0x3a: {  	s12 =	spop (v2sf)  }
0x3b: {  	s9 =	simm.s32 $0x1;
	s14 =	sand.u32 $0x7, s12;
	s8 =	sshll.u32 s12, $0x2  }
0x3c: {  	s9 =	simm.s32 @!p0 $0x0;
	s8 =	sand.u32 $0xFFFFFFE0, s8;
	s10 =	sshll.u32 s14, $0x2  }
0x3d: {  	s11 =	sshll.u32 s9, $0xF;
	(v2sf) =	vpush v0, $0x3;
	s8 =	sor.u32 s10, s8  }
0x3e: {  	s17 =	sadd.s32 $0x9C00, s11;
	s8 =	sshra.s32 s8, $0x2  }
0x3f: {  	s8 =	sadd.s32 s8, s17  }
0x40: {  	s15 =	spop (v2sf);
	s8 =	sadd.s32 $0x0, s8  }
0x41: {  	s18 =	sand.u32 $0x7, s15;
	s10 =	sshll.u32 s15, $0x2;
	v1 =	vld [tilespmem:s8+$0x0]  }
0x42: {  	s19 =	sshll.u32 s18, $0x2;
	s10 =	sand.u32 $0xFFFFFFE0, s10  }
0x43: {  	(v2sf) =	vpush v0, $0x4;
	s8 =	sor.u32 s19, s10  }
0x44: {  	s9 =	sshll.u32 s9, $0xC;
	s8 =	sshra.s32 s8, $0x2  }
0x45: {  	s21 =	sadd.s32 $0x19C80, s9;
	s8 =	sadd.s32 s8, s17  }
0x46: {  	s20 =	spop (v2sf);
	s8 =	sadd.s32 $0x0, s8;
	[tilespmem:s21+$0xFFFFFF80] =	vst v1  }
0x47: {  	s22 =	sand.u32 $0x7, s20;
	s9 =	sshll.u32 s20, $0x2;
	v1 =	vld [tilespmem:s8+$0x80]  }
0x48: {  	s23 =	sand.u32 $0xFFFFFFE0, s9;
	s24 =	sshll.u32 s22, $0x2  }
0x49: {  	(v2sf) =	vpush v0, $0x5;
	s8 =	sor.u32 s24, s23  }
0x4a: {  	s8 =	sshra.s32 s8, $0x2  }
0x4b: {  	s8 =	sadd.s32 s8, s17  }
0x4c: {  	s25 =	spop (v2sf);
	s8 =	sadd.s32 $0x0, s8;
	[tilespmem:s21+$0xFFFFFF90] =	vst v1  }
0x4d: {  	s26 =	sand.u32 $0x7, s25;
	s9 =	sshll.u32 s25, $0x2;
	v1 =	vld [tilespmem:s8+$0x100]  }
0x4e: {  	s28 =	sand.u32 $0xFFFFFFE0, s9;
	s29 =	sshll.u32 s26, $0x2  }
0x4f: {  	(v2sf) =	vpush v0, $0x6;
	s8 =	sor.u32 s29, s28  }
0x50: {  	s8 =	sshra.s32 s8, $0x2  }
0x51: {  	s8 =	sadd.s32 s8, s17  }
0x52: {  	s30 =	spop (v2sf);
	s8 =	sadd.s32 $0x0, s8;
	[tilespmem:s21+$0xFFFFFFA0] =	vst v1  }
0x53: {  	s31 =	sand.u32 $0x7, s30;
	s9 =	sshll.u32 s30, $0x2;
	v1 =	vld [tilespmem:s8+$0x180]  }
0x54: {  	s11 =	sand.u32 $0xFFFFFFE0, s9;
	s12 =	sshll.u32 s31, $0x2  }
0x55: {  	(v2sf) =	vpush v0, $0x7;
	s8 =	sor.u32 s12, s11  }
0x56: {  	s8 =	sshra.s32 s8, $0x2  }
0x57: {  	s8 =	sadd.s32 s8, s17  }
0x58: {  	s14 =	spop (v2sf);
	s8 =	sadd.s32 $0x0, s8;
	[tilespmem:s21+$0xFFFFFFB0] =	vst v1  }
0x59: {  	s15 =	sand.u32 $0x7, s14;
	s9 =	sshll.u32 s14, $0x2;
	v1 =	vld [tilespmem:s8+$0x200]  }
0x5a: {  	s18 =	sand.u32 $0xFFFFFFE0, s9;
	s19 =	sshll.u32 s15, $0x2  }
0x5b: {  	(v2sf) =	vpush v0, $0x8;
	s8 =	sor.u32 s19, s18  }
0x5c: {  	s8 =	sshra.s32 s8, $0x2  }
0x5d: {  	s8 =	sadd.s32 s8, s17  }
0x5e: {  	s20 =	spop (v2sf);
	s8 =	sadd.s32 $0x0, s8;
	[tilespmem:s21+$0xFFFFFFC0] =	vst v1  }
0x5f: {  	s22 =	sand.u32 $0x7, s20;
	s9 =	sshll.u32 s20, $0x2;
	v1 =	vld [tilespmem:s8+$0x280]  }
0x60: {  	s23 =	sand.u32 $0xFFFFFFE0, s9;
	s24 =	sshll.u32 s22, $0x2  }
0x61: {  	(v2sf) =	vpush v0, $0x9;
	s8 =	sor.u32 s24, s23  }
0x62: {  	s8 =	sshra.s32 s8, $0x2  }
0x63: {  	s8 =	sadd.s32 s8, s17  }
0x64: {  	s25 =	spop (v2sf);
	s8 =	sadd.s32 $0x0, s8;
	[tilespmem:s21+$0xFFFFFFD0] =	vst v1  }
0x65: {  	s26 =	sand.u32 $0x7, s25;
	s9 =	sshll.u32 s25, $0x2;
	v1 =	vld [tilespmem:s8+$0x300]  }
0x66: {  	s28 =	sand.u32 $0xFFFFFFE0, s9;
	s29 =	sshll.u32 s26, $0x2  }
0x67: {  	(v2sf) =	vpush v0, $0xA;
	s8 =	sor.u32 s29, s28  }
0x68: {  	s8 =	sshra.s32 s8, $0x2  }
0x69: {  	s8 =	sadd.s32 s8, s17  }
0x6a: {  	s30 =	spop (v2sf);
	s8 =	sadd.s32 $0x0, s8;
	[tilespmem:s21+$0xFFFFFFE0] =	vst v1  }
0x6b: {  	s31 =	sand.u32 $0x7, s30;
	s9 =	sshll.u32 s30, $0x2;
	v1 =	vld [tilespmem:s8+$0x380]  }
0x6c: {  	s11 =	sand.u32 $0xFFFFFFE0, s9;
	s12 =	sshll.u32 s31, $0x2  }
0x6d: {  	(v2sf) =	vpush v0, $0xB;
	s8 =	sor.u32 s12, s11  }
0x6e: {  	s8 =	sshra.s32 s8, $0x2  }
0x6f: {  	s8 =	sadd.s32 s8, s17  }
0x70: {  	s14 =	spop (v2sf);
	s8 =	sadd.s32 $0x0, s8;
	[tilespmem:s21+$0xFFFFFFF0] =	vst v1  }
0x71: {  	s15 =	sand.u32 $0x7, s14;
	s9 =	sshll.u32 s14, $0x2;
	v1 =	vld [tilespmem:s8+$0x400]  }
0x72: {  	s18 =	sand.u32 $0xFFFFFFE0, s9;
	s19 =	sshll.u32 s15, $0x2  }
0x73: {  	(v2sf) =	vpush v0, $0xC;
	s8 =	sor.u32 s19, s18  }
0x74: {  	s8 =	sshra.s32 s8, $0x2  }
0x75: {  	s8 =	sadd.s32 s8, s17  }
0x76: {  	s20 =	spop (v2sf);
	s8 =	sadd.s32 $0x0, s8;
	[tilespmem:s21+$0x0] =	vst v1  }
0x77: {  	s22 =	sand.u32 $0x7, s20;
	s9 =	sshll.u32 s20, $0x2;
	v1 =	vld [tilespmem:s8+$0x480]  }
0x78: {  	s23 =	sand.u32 $0xFFFFFFE0, s9;
	s24 =	sshll.u32 s22, $0x2  }
0x79: {  	(v2sf) =	vpush v0, $0xD;
	s8 =	sor.u32 s24, s23  }
0x7a: {  	s8 =	sshra.s32 s8, $0x2  }
0x7b: {  	s8 =	sadd.s32 s8, s17  }
0x7c: {  	s25 =	spop (v2sf);
	s8 =	sadd.s32 $0x0, s8;
	[tilespmem:s21+$0x10] =	vst v1  }
0x7d: {  	s26 =	sand.u32 $0x7, s25;
	s9 =	sshll.u32 s25, $0x2;
	v1 =	vld [tilespmem:s8+$0x500]  }
0x7e: {  	s28 =	sand.u32 $0xFFFFFFE0, s9;
	s29 =	sshll.u32 s26, $0x2  }
0x7f: {  	(v2sf) =	vpush v0, $0xE;
	s8 =	sor.u32 s29, s28  }
0x80: {  	s8 =	sshra.s32 s8, $0x2  }
0x81: {  	s8 =	sadd.s32 s8, s17  }
0x82: {  	s30 =	spop (v2sf);
	s8 =	sadd.s32 $0x0, s8;
	[tilespmem:s21+$0x20] =	vst v1  }
0x83: {  	s31 =	sand.u32 $0x7, s30;
	s9 =	sshll.u32 s30, $0x2;
	v1 =	vld [tilespmem:s8+$0x580]  }
0x84: {  	s9 =	sand.u32 $0xFFFFFFE0, s9;
	s11 =	sshll.u32 s31, $0x2  }
0x85: {  	(v2sf) =	vpush v0, $0xF;
	s8 =	sor.u32 s11, s9  }
0x86: {  	s8 =	sshra.s32 s8, $0x2  }
0x87: {  	s8 =	sadd.s32 s8, s17  }
0x88: {  	s12 =	spop (v2sf);
	s8 =	sadd.s32 $0x0, s8;
	[tilespmem:s21+$0x30] =	vst v1  }
0x89: {  	s14 =	sand.u32 $0x7, s12;
	s9 =	sshll.u32 s12, $0x2;
	v0 =	vld [tilespmem:s8+$0x600]  }
0x8a: {  	s18 =	sshll.u32 s14, $0x2;
	s15 =	sand.u32 $0xFFFFFFE0, s9  }
0x8b: {  	s8 =	sor.u32 s18, s15  }
0x8c: {  	s8 =	sshra.s32 s8, $0x2  }
0x8d: {  	s8 =	sadd.s32 s8, s17  }
0x8e: {  	s19 =	spop (v2sf);
	s8 =	sadd.s32 $0x0, s8;
	[tilespmem:s21+$0x40] =	vst v0  }
0x8f: {  	s20 =	sand.u32 $0x7, s19;
	s9 =	sshll.u32 s19, $0x2;
	v0 =	vld [tilespmem:s8+$0x680]  }
0x90: {  	s23 =	sshll.u32 s20, $0x2;
	s22 =	sand.u32 $0xFFFFFFE0, s9  }
0x91: {  	s8 =	sor.u32 s23, s22  }
0x92: {  	s8 =	sshra.s32 s8, $0x2  }
0x93: {  	s8 =	sadd.s32 s8, s17  }
0x94: {  	s26 =	sshll.u32 s16, $0xC;
	s24 =	spop (v2sf);
	s8 =	sadd.s32 $0x0, s8;
	[tilespmem:s21+$0x50] =	vst v0  }
0x95: {  	s20 =	sadd.s32 $0x19C00, s26;
	s25 =	sand.u32 $0x7, s24;
	s9 =	sshll.u32 s24, $0x2;
	v0 =	vld [tilespmem:s8+$0x700]  }
0x96: {  	s29 =	rddreg [dreg:$0x2];
	s9 =	sand.u32 $0xFFFFFFE0, s9;
	s10 =	sshll.u32 s25, $0x2  }
0x97: {  	s24 =	simm.s32 $0x4000;
	s25 =	smov.u32 s21;
	s28 =	sor.u32 s10, s9  }
0x98: {  	s18 =	sshll.u32 s16, $0xF;
	s23 =	simm.s32 $0x40;
	s8 =	sshra.s32 s28, $0x2  }
0x99: {  	s19 =	sadd.s32 $0x9C00, s18;
	s30 =	sand.u32 $0x200, s23;
	s8 =	sadd.s32 s8, s17  }
0x9a: {  	s31 =	sand.u32 $0x1C0, s23;
	s10 =	sshrl.u32 s30, $0x2;
	s8 =	sadd.s32 $0x0, s8;
	[tilespmem:s21+$0x60] =	vst v0  }
0x9b: {  	s22 =	simm.s32 $0x2000;
	s9 =	sshrl.u32 s31, $0x2;
	v0 =	vld [tilespmem:s8+$0x780];
	s8 =	sadd.s32 s10, s29  }
.LBB2_3:
0x9c: {  	_ =	sdelay $0x3  }
0x9d: {  	s8 =	sadd.s32 s9, s8;
	[tilespmem:s25+$0x70] =	vst v0  }
0x9e: {  	v0 =	vld [tilespmem:s8+$0x0];
	_ =	sdelay $0x4  }
0x9f: {  	(v2sf) =	vpush v0, $0x0;
	_ =	sdelay $0x5  }
0xa0: {  	(v2sf) =	vpush v0, $0x1;
	_ =	sdelay $0x1  }
0xa1: {  	(v2sf) =	vpush v0, $0x2  }
0xa2: {  	(v2sf) =	vpush v0, $0x3;
	_ =	sdelay $0x1  }
0xa3: {  	(v2sf) =	vpush v0, $0x4;
	_ =	sdelay $0x3  }
0xa4: {  	(v2sf) =	vpush v0, $0x5;
	s30 =	spop (v2sf)  }
0xa5: {  	s31 =	sand.u32 $0x7, s30;
	s8 =	sshll.u32 s30, $0x2  }
0xa6: {  	s8 =	sand.u32 $0xFFFFFFE0, s8;
	s9 =	sshll.u32 s31, $0x2  }
0xa7: {  	s8 =	sor.u32 s9, s8  }
0xa8: {  	s8 =	sshra.s32 s8, $0x2  }
0xa9: {  	s26 =	sshra.s32 s22, $0x2;
	s8 =	sadd.s32 s8, s17  }
0xaa: {  	s10 =	spop (v2sf);
	(v2sf) =	vpush v0, $0x6;
	s8 =	sadd.s32 s26, s8  }
0xab: {  	s29 =	smov.u32 s24;
	s11 =	sand.u32 $0x7, s10;
	s10 =	sshll.u32 s10, $0x2;
	v1 =	vld [tilespmem:s8+$0x0]  }
0xac: {  	s12 =	spop (v2sf);
	(v2sf) =	vpush v0, $0x7;
	s11 =	sshll.u32 s11, $0x2;
	s9 =	sand.u32 $0xFFFFFFE0, s10  }
0xad: {  	s22 =	smov.u32 s29;
	s29 =	spop (v2sf);
	(v2sf) =	vpush v0, $0x8;
	s9 =	sor.u32 s11, s9  }
0xae: {  	s9 =	sshra.s32 s9, $0x2  }
0xaf: {  	s21 =	sadd.s32 $0x100, s21;
	s31 =	spop (v2sf);
	(v2sf) =	vpush v0, $0x9;
	s15 =	sadd.s32 s9, s17  }
0xb0: {  	s14 =	sand.u32 $0x7, s12;
	s11 =	sshll.u32 s12, $0x2;
	s8 =	sadd.s32 s26, s15;
	[tilespmem:s21+$0xFFFFFF80] =	vst v1  }
0xb1: {  	s10 =	sshll.u32 s14, $0x2;
	s30 =	sand.u32 $0x7, s29;
	s28 =	sand.u32 $0xFFFFFFE0, s11;
	v1 =	vld [tilespmem:s8+$0x80]  }
0xb2: {  	s11 =	sshll.u32 s30, $0x2;
	s14 =	sand.u32 $0x7, s31;
	s9 =	sor.u32 s10, s28  }
0xb3: {  	s10 =	sshll.u32 s29, $0x2;
	s12 =	sshll.u32 s14, $0x2;
	s14 =	spop (v2sf)  }
0xb4: {  	(v2sf) =	vpush v0, $0xA;
	s9 =	sshra.s32 s9, $0x2;
	s10 =	sand.u32 $0xFFFFFFE0, s10;
	s15 =	sand.u32 $0x7, s14  }
0xb5: {  	s9 =	sadd.s32 s9, s17;
	s10 =	sor.u32 s11, s10;
	s11 =	sshll.u32 s31, $0x2  }
0xb6: {  	s10 =	sshra.s32 s10, $0x2;
	s11 =	sand.u32 $0xFFFFFFE0, s11;
	s9 =	sadd.s32 s26, s9;
	[tilespmem:s21+$0xFFFFFF90] =	vst v1  }
0xb7: {  	s8 =	sadd.s32 s10, s17;
	s10 =	sor.u32 s12, s11;
	s11 =	sshll.u32 s14, $0x2;
	v1 =	vld [tilespmem:s9+$0x100]  }
0xb8: {  	s29 =	sshll.u32 s15, $0x2;
	s10 =	sshra.s32 s10, $0x2;
	s28 =	sand.u32 $0xFFFFFFE0, s11  }
0xb9: {  	s8 =	sadd.s32 s26, s8;
	s30 =	sadd.s32 s10, s17;
	s31 =	spop (v2sf)  }
0xba: {  	s10 =	sor.u32 s29, s28;
	s12 =	sand.u32 $0x7, s31;
	s11 =	sshll.u32 s31, $0x2  }
0xbb: {  	s29 =	spop (v2sf);
	s15 =	sand.u32 $0xFFFFFFE0, s11;
	s28 =	sshll.u32 s12, $0x2  }
0xbc: {  	s31 =	sand.u32 $0x7, s29;
	s11 =	sshll.u32 s29, $0x2;
	s12 =	spop (v2sf);
	[tilespmem:s21+$0xFFFFFFA0] =	vst v1  }
0xbd: {  	s9 =	sor.u32 s28, s15;
	s11 =	sand.u32 $0xFFFFFFE0, s11;
	s14 =	sshll.u32 s31, $0x2;
	v1 =	vld [tilespmem:s8+$0x180]  }
0xbe: {  	s29 =	sand.u32 $0x7, s12;
	s31 =	spop (v2sf);
	s11 =	sor.u32 s14, s11  }
0xbf: {  	(v2sf) =	vpush v0, $0xB;
	s14 =	sshll.u32 s12, $0x2;
	s29 =	sshll.u32 s29, $0x2;
	s11 =	sshra.s32 s11, $0x2  }
0xc0: {  	(v2sf) =	vpush v0, $0xC;
	s12 =	sand.u32 $0x7, s31;
	s15 =	sand.u32 $0xFFFFFFE0, s14;
	s28 =	sadd.s32 s11, s17  }
0xc1: {  	(v2sf) =	vpush v0, $0xD;
	s11 =	sshll.u32 s31, $0x2;
	s31 =	sshll.u32 s12, $0x2;
	s8 =	sor.u32 s29, s15  }
0xc2: {  	(v2sf) =	vpush v0, $0xE;
	s12 =	sadd.s32 s26, s30;
	s15 =	sand.u32 $0xFFFFFFE0, s11;
	s8 =	sshra.s32 s8, $0x2;
	[tilespmem:s21+$0xFFFFFFB0] =	vst v1  }
0xc3: {  	s29 =	sadd.s32 s8, s17;
	s8 =	sor.u32 s31, s15;
	s15 =	spop (v2sf);
	(v2sf) =	vpush v0, $0xF;
	v0 =	vld [tilespmem:s12+$0x200]  }
0xc4: {  	_ =	sdelay $0x1  }
0xc5: {  	s10 =	sshra.s32 s10, $0x2  }
0xc6: {  	s10 =	sadd.s32 s10, s17  }
0xc7: {  	s10 =	sadd.s32 s26, s10;
	[tilespmem:s21+$0xFFFFFFC0] =	vst v0  }
0xc8: {  	v0 =	vld [tilespmem:s10+$0x280];
	_ =	sdelay $0x2  }
0xc9: {  	s9 =	sshra.s32 s9, $0x2  }
0xca: {  	s9 =	sadd.s32 s9, s17  }
0xcb: {  	s9 =	sadd.s32 s26, s9;
	[tilespmem:s21+$0xFFFFFFD0] =	vst v0  }
0xcc: {  	v0 =	vld [tilespmem:s9+$0x300];
	_ =	sdelay $0x2  }
0xcd: {  	s28 =	sadd.s32 s26, s28;
	s8 =	sshra.s32 s8, $0x2  }
0xce: {  	s31 =	sand.u32 $0x7, s15;
	s11 =	sshll.u32 s15, $0x2;
	s14 =	sadd.s32 s8, s17  }
0xcf: {  	s11 =	sand.u32 $0xFFFFFFE0, s11;
	s12 =	sshll.u32 s31, $0x2;
	s15 =	spop (v2sf);
	[tilespmem:s21+$0xFFFFFFE0] =	vst v0  }
0xd0: {  	s8 =	sor.u32 s12, s11;
	s31 =	sand.u32 $0x7, s15;
	s11 =	sshll.u32 s15, $0x2;
	v0 =	vld [tilespmem:s28+$0x380]  }
0xd1: {  	s12 =	spop (v2sf);
	s11 =	sand.u32 $0xFFFFFFE0, s11;
	s30 =	sshll.u32 s31, $0x2  }
0xd2: {  	s29 =	sadd.s32 s26, s29;
	s31 =	sand.u32 $0x7, s12;
	s11 =	sor.u32 s30, s11  }
0xd3: {  	s30 =	sshll.u32 s12, $0x2;
	s31 =	sshll.u32 s31, $0x2;
	s12 =	spop (v2sf)  }
0xd4: {  	s11 =	sshra.s32 s11, $0x2;
	s15 =	sand.u32 $0xFFFFFFE0, s30;
	s30 =	sshll.u32 s12, $0x2  }
0xd5: {  	s10 =	sadd.s32 s11, s17;
	s11 =	sor.u32 s31, s15;
	s15 =	sand.u32 $0x7, s12;
	[tilespmem:s21+$0xFFFFFFF0] =	vst v0  }
0xd6: {  	s30 =	sand.u32 $0xFFFFFFE0, s30;
	s12 =	spop (v2sf);
	s31 =	sshll.u32 s15, $0x2;
	v0 =	vld [tilespmem:s29+$0x400]  }
0xd7: {  	s15 =	sand.u32 $0x7, s12;
	s30 =	sor.u32 s31, s30;
	s31 =	sshll.u32 s12, $0x2  }
0xd8: {  	s15 =	sshll.u32 s15, $0x2;
	s31 =	sand.u32 $0xFFFFFFE0, s31;
	s12 =	spop (v2sf)  }
0xd9: {  	s15 =	sor.u32 s15, s31;
	s31 =	sand.u32 $0x7, s12;
	s12 =	sshll.u32 s12, $0x2  }
0xda: {  	s12 =	sand.u32 $0xFFFFFFE0, s12;
	s31 =	sshll.u32 s31, $0x2  }
0xdb: {  	s12 =	sor.u32 s31, s12;
	s31 =	sadd.s32 s26, s14;
	[tilespmem:s21+$0x0] =	vst v0  }
0xdc: {  	v0 =	vld [tilespmem:s31+$0x480];
	_ =	sdelay $0x2  }
0xdd: {  	s8 =	sshra.s32 s8, $0x2  }
0xde: {  	s8 =	sadd.s32 s8, s17  }
0xdf: {  	s8 =	sadd.s32 s26, s8;
	[tilespmem:s21+$0x10] =	vst v0  }
0xe0: {  	v0 =	vld [tilespmem:s8+$0x500];
	_ =	sdelay $0x4  }
0xe1: {  	s10 =	sadd.s32 s26, s10;
	[tilespmem:s21+$0x20] =	vst v0  }
0xe2: {  	v0 =	vld [tilespmem:s10+$0x580];
	_ =	sdelay $0x2  }
0xe3: {  	s11 =	sshra.s32 s11, $0x2  }
0xe4: {  	s11 =	sadd.s32 s11, s17;
	s12 =	sshra.s32 s12, $0x2  }
0xe5: {  	s28 =	sadd.s32 s12, s17;
	s12 =	sadd.s32 s26, s11;
	[tilespmem:s21+$0x30] =	vst v0  }
0xe6: {  	v0 =	vld [tilespmem:s12+$0x600];
	_ =	sdelay $0x2  }
0xe7: {  	s30 =	sshra.s32 s30, $0x2  }
0xe8: {  	s9 =	sadd.s32 s30, s17  }
0xe9: {  	s14 =	sadd.s32 s26, s9;
	[tilespmem:s21+$0x40] =	vst v0  }
0xea: {  	v0 =	vld [tilespmem:s14+$0x680];
	_ =	sdelay $0x2  }
0xeb: {  	s15 =	sshra.s32 s15, $0x2  }
0xec: {  	s30 =	sadd.s32 s15, s17  }
0xed: {  	s15 =	sadd.s32 s26, s30;
	[tilespmem:s21+$0x50] =	vst v0  }
0xee: {  	v0 =	vld [tilespmem:s15+$0x700]  }
0xef: {  	p1 =	sne.s32 s24, $0x1E000  }
.Ltmp0:
0xf0: {  	_ = 	snop;
	(pc) =	sbr.rel @p1 .LBB2_3-.Ltmp0, $4  }
0xf1: {  	s23 =	sadd.s32 $0x40, s23  }
0xf2: {  	s24 =	sadd.s32 $0x2000, s24;
	s30 =	sand.u32 $0x200, s23;
	s28 =	sadd.s32 s26, s28  }
0xf3: {  	s29 =	rddreg [dreg:$0x2];
	s31 =	sand.u32 $0x1C0, s23;
	s8 =	sshrl.u32 s30, $0x2;
	[tilespmem:s21+$0x60] =	vst v0  }
0xf4: {  	s25 =	smov.u32 s21;
	s9 =	sshrl.u32 s31, $0x2;
	s8 =	sadd.s32 s8, s29;
	v0 =	vld [tilespmem:s28+$0x780]  }
0xf5: {  	_ =	sdelay $0x3  }
0xf6: {  	s8 =	sadd.s32 s9, s8;
	[tilespmem:s25+$0x70] =	vst v0  }
0xf7: {  	v0 =	vld [tilespmem:s8+$0x0];
	_ =	sdelay $0x4  }
0xf8: {  	(v2sf) =	vpush v0, $0x0;
	_ =	sdelay $0x5  }
0xf9: {  	(v2sf) =	vpush v0, $0x1;
	_ =	sdelay $0x5  }
0xfa: {  	(v2sf) =	vpush v0, $0x2;
	_ =	sdelay $0x2  }
0xfb: {  	s9 =	spop (v2sf)  }
0xfc: {  	s10 =	sand.u32 $0x7, s9;
	s8 =	sshll.u32 s9, $0x2  }
0xfd: {  	s8 =	sand.u32 $0xFFFFFFE0, s8;
	s9 =	sshll.u32 s10, $0x2  }
0xfe: {  	(v2sf) =	vpush v0, $0x3;
	s8 =	sor.u32 s9, s8  }
0xff: {  	s8 =	sshra.s32 s8, $0x2  }
0x100: {  	s22 =	sshra.s32 s22, $0x2;
	s8 =	sadd.s32 s8, s17  }
0x101: {  	s11 =	spop (v2sf);
	s8 =	sadd.s32 s22, s8  }
0x102: {  	s10 =	sand.u32 $0x7, s11;
	s9 =	sshll.u32 s11, $0x2;
	v1 =	vld [tilespmem:s8+$0x0]  }
0x103: {  	s12 =	sshll.u32 s10, $0x2;
	s9 =	sand.u32 $0xFFFFFFE0, s9  }
0x104: {  	(v2sf) =	vpush v0, $0x4;
	s8 =	sor.u32 s12, s9  }
0x105: {  	s8 =	sshra.s32 s8, $0x2  }
0x106: {  	s21 =	sadd.s32 $0x100, s21;
	s8 =	sadd.s32 s8, s17  }
0x107: {  	s14 =	spop (v2sf);
	s8 =	sadd.s32 s22, s8;
	[tilespmem:s21+$0xFFFFFF80] =	vst v1  }
0x108: {  	s15 =	sand.u32 $0x7, s14;
	s9 =	sshll.u32 s14, $0x2;
	v1 =	vld [tilespmem:s8+$0x80]  }
0x109: {  	s24 =	sshll.u32 s15, $0x2;
	s23 =	sand.u32 $0xFFFFFFE0, s9  }
0x10a: {  	(v2sf) =	vpush v0, $0x5;
	s8 =	sor.u32 s24, s23  }
0x10b: {  	s8 =	sshra.s32 s8, $0x2  }
0x10c: {  	s8 =	sadd.s32 s8, s17  }
0x10d: {  	s25 =	spop (v2sf);
	s8 =	sadd.s32 s22, s8;
	[tilespmem:s21+$0xFFFFFF90] =	vst v1  }
0x10e: {  	s26 =	sand.u32 $0x7, s25;
	s9 =	sshll.u32 s25, $0x2;
	v1 =	vld [tilespmem:s8+$0x100]  }
0x10f: {  	s28 =	sand.u32 $0xFFFFFFE0, s9;
	s29 =	sshll.u32 s26, $0x2  }
0x110: {  	(v2sf) =	vpush v0, $0x6;
	s8 =	sor.u32 s29, s28  }
0x111: {  	s8 =	sshra.s32 s8, $0x2  }
0x112: {  	s8 =	sadd.s32 s8, s17  }
0x113: {  	s30 =	spop (v2sf);
	s8 =	sadd.s32 s22, s8;
	[tilespmem:s21+$0xFFFFFFA0] =	vst v1  }
0x114: {  	s31 =	sand.u32 $0x7, s30;
	s9 =	sshll.u32 s30, $0x2;
	v1 =	vld [tilespmem:s8+$0x180]  }
0x115: {  	s11 =	sand.u32 $0xFFFFFFE0, s9;
	s12 =	sshll.u32 s31, $0x2  }
0x116: {  	(v2sf) =	vpush v0, $0x7;
	s8 =	sor.u32 s12, s11  }
0x117: {  	s8 =	sshra.s32 s8, $0x2  }
0x118: {  	s8 =	sadd.s32 s8, s17  }
0x119: {  	s14 =	spop (v2sf);
	s8 =	sadd.s32 s22, s8;
	[tilespmem:s21+$0xFFFFFFB0] =	vst v1  }
0x11a: {  	s15 =	sand.u32 $0x7, s14;
	s9 =	sshll.u32 s14, $0x2;
	v1 =	vld [tilespmem:s8+$0x200]  }
0x11b: {  	s23 =	sand.u32 $0xFFFFFFE0, s9;
	s24 =	sshll.u32 s15, $0x2  }
0x11c: {  	(v2sf) =	vpush v0, $0x8;
	s8 =	sor.u32 s24, s23  }
0x11d: {  	s8 =	sshra.s32 s8, $0x2  }
0x11e: {  	s8 =	sadd.s32 s8, s17  }
0x11f: {  	s25 =	spop (v2sf);
	s8 =	sadd.s32 s22, s8;
	[tilespmem:s21+$0xFFFFFFC0] =	vst v1  }
0x120: {  	s26 =	sand.u32 $0x7, s25;
	s9 =	sshll.u32 s25, $0x2;
	v1 =	vld [tilespmem:s8+$0x280]  }
0x121: {  	s28 =	sand.u32 $0xFFFFFFE0, s9;
	s29 =	sshll.u32 s26, $0x2  }
0x122: {  	(v2sf) =	vpush v0, $0x9;
	s8 =	sor.u32 s29, s28  }
0x123: {  	s8 =	sshra.s32 s8, $0x2  }
0x124: {  	s8 =	sadd.s32 s8, s17  }
0x125: {  	s30 =	spop (v2sf);
	s8 =	sadd.s32 s22, s8;
	[tilespmem:s21+$0xFFFFFFD0] =	vst v1  }
0x126: {  	s31 =	sand.u32 $0x7, s30;
	s9 =	sshll.u32 s30, $0x2;
	v1 =	vld [tilespmem:s8+$0x300]  }
0x127: {  	s11 =	sand.u32 $0xFFFFFFE0, s9;
	s12 =	sshll.u32 s31, $0x2  }
0x128: {  	(v2sf) =	vpush v0, $0xA;
	s8 =	sor.u32 s12, s11  }
0x129: {  	s8 =	sshra.s32 s8, $0x2  }
0x12a: {  	s8 =	sadd.s32 s8, s17  }
0x12b: {  	s14 =	spop (v2sf);
	s8 =	sadd.s32 s22, s8;
	[tilespmem:s21+$0xFFFFFFE0] =	vst v1  }
0x12c: {  	s15 =	sand.u32 $0x7, s14;
	s9 =	sshll.u32 s14, $0x2;
	v1 =	vld [tilespmem:s8+$0x380]  }
0x12d: {  	s23 =	sand.u32 $0xFFFFFFE0, s9;
	s24 =	sshll.u32 s15, $0x2  }
0x12e: {  	(v2sf) =	vpush v0, $0xB;
	s8 =	sor.u32 s24, s23  }
0x12f: {  	s8 =	sshra.s32 s8, $0x2  }
0x130: {  	s8 =	sadd.s32 s8, s17  }
0x131: {  	s25 =	spop (v2sf);
	s8 =	sadd.s32 s22, s8;
	[tilespmem:s21+$0xFFFFFFF0] =	vst v1  }
0x132: {  	s26 =	sand.u32 $0x7, s25;
	s9 =	sshll.u32 s25, $0x2;
	v1 =	vld [tilespmem:s8+$0x400]  }
0x133: {  	s28 =	sand.u32 $0xFFFFFFE0, s9;
	s29 =	sshll.u32 s26, $0x2  }
0x134: {  	(v2sf) =	vpush v0, $0xC;
	s8 =	sor.u32 s29, s28  }
0x135: {  	s8 =	sshra.s32 s8, $0x2  }
0x136: {  	s8 =	sadd.s32 s8, s17  }
0x137: {  	s30 =	spop (v2sf);
	s8 =	sadd.s32 s22, s8;
	[tilespmem:s21+$0x0] =	vst v1  }
0x138: {  	s31 =	sand.u32 $0x7, s30;
	s9 =	sshll.u32 s30, $0x2;
	v1 =	vld [tilespmem:s8+$0x480]  }
0x139: {  	s11 =	sand.u32 $0xFFFFFFE0, s9;
	s12 =	sshll.u32 s31, $0x2  }
0x13a: {  	(v2sf) =	vpush v0, $0xD;
	s8 =	sor.u32 s12, s11  }
0x13b: {  	s8 =	sshra.s32 s8, $0x2  }
0x13c: {  	s8 =	sadd.s32 s8, s17  }
0x13d: {  	s14 =	spop (v2sf);
	s8 =	sadd.s32 s22, s8;
	[tilespmem:s21+$0x10] =	vst v1  }
0x13e: {  	s15 =	sand.u32 $0x7, s14;
	s9 =	sshll.u32 s14, $0x2;
	v1 =	vld [tilespmem:s8+$0x500]  }
0x13f: {  	s23 =	sand.u32 $0xFFFFFFE0, s9;
	s24 =	sshll.u32 s15, $0x2  }
0x140: {  	(v2sf) =	vpush v0, $0xE;
	s8 =	sor.u32 s24, s23  }
0x141: {  	s8 =	sshra.s32 s8, $0x2  }
0x142: {  	s8 =	sadd.s32 s8, s17  }
0x143: {  	s25 =	spop (v2sf);
	s8 =	sadd.s32 s22, s8;
	[tilespmem:s21+$0x20] =	vst v1  }
0x144: {  	s26 =	sand.u32 $0x7, s25;
	s9 =	sshll.u32 s25, $0x2;
	v1 =	vld [tilespmem:s8+$0x580]  }
0x145: {  	s28 =	sand.u32 $0xFFFFFFE0, s9;
	s29 =	sshll.u32 s26, $0x2  }
0x146: {  	(v2sf) =	vpush v0, $0xF;
	s8 =	sor.u32 s29, s28  }
0x147: {  	s8 =	sshra.s32 s8, $0x2  }
0x148: {  	s8 =	sadd.s32 s8, s17  }
0x149: {  	s30 =	spop (v2sf);
	s8 =	sadd.s32 s22, s8;
	[tilespmem:s21+$0x30] =	vst v1  }
0x14a: {  	s31 =	sand.u32 $0x7, s30;
	s9 =	sshll.u32 s30, $0x2;
	v63 =	vld [tilespmem:s8+$0x600]  }
0x14b: {  	s11 =	sand.u32 $0xFFFFFFE0, s9;
	s12 =	sshll.u32 s31, $0x2  }
0x14c: {  	s8 =	sor.u32 s12, s11  }
0x14d: {  	s8 =	sshra.s32 s8, $0x2  }
0x14e: {  	s8 =	sadd.s32 s8, s17  }
0x14f: {  	s14 =	spop (v2sf);
	s8 =	sadd.s32 s22, s8;
	[tilespmem:s21+$0x40] =	vst v63  }
0x150: {  	s15 =	sand.u32 $0x7, s14;
	s9 =	sshll.u32 s14, $0x2;
	v0 =	vld [tilespmem:s8+$0x680]  }
0x151: {  	s23 =	sand.u32 $0xFFFFFFE0, s9;
	s24 =	sshll.u32 s15, $0x2  }
0x152: {  	s8 =	sor.u32 s24, s23  }
0x153: {  	s8 =	sshra.s32 s8, $0x2  }
0x154: {  	s8 =	sadd.s32 s8, s17  }
0x155: {  	s25 =	spop (v2sf);
	s8 =	sadd.s32 s22, s8;
	[tilespmem:s21+$0x50] =	vst v0  }
0x156: {  	s26 =	sand.u32 $0x7, s25;
	s9 =	sshll.u32 s25, $0x2;
	v0 =	vld [tilespmem:s8+$0x700]  }
0x157: {  	s28 =	sand.u32 $0xFFFFFFE0, s9;
	s29 =	sshll.u32 s26, $0x2  }
0x158: {  	s8 =	sor.u32 s29, s28  }
0x159: {  	s8 =	sshra.s32 s8, $0x2  }
0x15a: {  	s8 =	sadd.s32 s8, s17  }
0x15b: {  	s8 =	sadd.s32 s22, s8;
	[tilespmem:s21+$0x60] =	vst v0  }
0x15c: {  	v0 =	vld [tilespmem:s8+$0x780];
	_ =	sdelay $0x1  }
0x15d: {  	s30 =	sshll.u32 s0, $0x1  }
0x15e: {  	s8 =	sadd.s32 s7, s30  }
0x15f: {  	s31 =	sshll.u32 s8, $0x8  }
0x160: {  	s10 =	sadd.s32 $0x3, s16;
	s9 =	sadd.s32 s5, s31;
	[tilespmem:s21+$0x70] =	vst v0  }
0x161: {  	[hbm4b:s9+s2] =	stream.linear.scatter [tilespmem:s20], [sflag:s10], $0x1000, $0x38;
	[tilespmem:$0x1BE00] =	vst v63  }
0x162: {  	s8 =	sshll.u32 s8, $0x4;
	s9 =	sshll.u32 s16, $0x8  }
0x163: {  	p1 =	sgt.u32 s0, $0x31;
	s8 =	sadd.s32 s6, s8;
	s11 =	sor.u32 $0x1BC00, s9  }
0x164: {  	[hbm4b:s8+s2] =	stream.linear.scatter [tilespmem:s11], [sflag:s10], $0x100, $0x38;
	[tilespmem:$0x1BE00] =	vst v63  }
0x165: {  	_ =	swait.ge @!p1 [sflag:s10], $0x1000  }
0x166: {  	[sflag:s10] =	ssyncset.done @!p1 $0x0  }
0x167: {  	[sflag:s10] =	ssyncadd.s32 @!p1 $0xFFFFF000  }
0x168: {  	_ =	swait.ge @!p1 [sflag:s10], $0x100  }
0x169: {  	s8 =	sshll.u32 @!p1 s0, $0x8;
	[sflag:s10] =	ssyncset.done @!p1 $0x0  }
0x16a: {  	s12 =	simm.s32 @!p1 $0x80;
	[sflag:s10] =	ssyncadd.s32 @!p1 $0xFFFFFF00;
	s10 =	sadd.s32 @!p1 $0x200, s8  }
0x16b: {  	[tilespmem:s19], [sflag:s13] =	stream.indirect.gather @!p1 [hbm4b:s3+s12], $0x80, s10, s12, $0xb8;
	[tilespmem:$0x1BE00] =	vst v63  }
0x16c: {  	s10 =	sadd.s32 @!p1 $0x6A00, s8  }
0x16d: {  	[tilespmem:s11], [sflag:s13] =	stream.indirect.gather @!p1 [hbm4b:s4+s12], $0x1, s10, s12, $0xb8;
	[tilespmem:$0x1BE00] =	vst v63  }
0x16e: {  	s10 =	sadd.s32 @!p1 $0xDC00, s18;
	s11 =	sadd.s32 @!p1 $0x280, s8  }
0x16f: {  	[tilespmem:s10], [sflag:s13] =	stream.indirect.gather @!p1 [hbm4b:s3+s12], $0x80, s11, s12, $0xb8;
	[tilespmem:$0x1BE00] =	vst v63  }
0x170: {  	s9 =	sadd.s32 @!p1 $0x1BC80, s9;
	s0 =	sadd.s32 $0x1, s0;
	s8 =	sadd.s32 @!p1 $0x6A80, s8  }
0x171: {  	[tilespmem:s9], [sflag:s13] =	stream.indirect.gather @!p1 [hbm4b:s4+s12], $0x1, s8, s12, $0xb8;
	[tilespmem:$0x1BE00] =	vst v63  }
0x172: {  	p1 =	sne.s32 s0, $0x34  }
.Ltmp1:
0x173: {  	_ = 	snop;
	(pc) =	sbr.rel @p1 .LBB2_2-.Ltmp1, $2  }
0x174: {  	_ =	sdelay $0x2  }
0x175: {  	p0 =	por !p0, !p0  }
0x176: {  	s0 =	simm.s32 $0x3  }
0x177: {  	_ =	swait.ge [sflag:s0], $0x1000  }
0x178: {  	[sflag:s0] =	ssyncset.done $0x0  }
0x179: {  	[sflag:s0] =	ssyncadd.s32 $0xFFFFF000  }
0x17a: {  	_ =	swait.ge [sflag:s0], $0x100  }
0x17b: {  	[sflag:s0] =	ssyncset.done $0x0  }
0x17c: {  	s8 =	simm.s32 $0x4;
	[sflag:s0] =	ssyncadd.s32 $0xFFFFFF00  }
0x17d: {  	_ =	swait.ge [sflag:s8], $0x1000  }
0x17e: {  	[sflag:s8] =	ssyncset.done $0x0  }
0x17f: {  	[sflag:s8] =	ssyncadd.s32 $0xFFFFF000  }
0x180: {  	_ =	swait.ge [sflag:s8], $0x100  }
0x181: {  	s1 =	sadd.s32 $0x1, s1;
	s31 =	rddreg [dreg:$0x6]  }
0x182: {  	p0 =	sne.s32 s1, s31  }
.Ltmp2:
0x183: {  	_ = 	snop;
	(pc) =	sbr.rel @p0 .LBB2_1-.Ltmp2, $3  }
0x184: {  	_ =	sdelay $0x1  }
0x185: {  	[sflag:s8] =	ssyncset.done $0x0  }
0x186: {  	[sflag:s8] =	ssyncadd.s32 $0xFFFFFF00  }
0x187: {  	_ =	sfence.sel $0x180000  }
0x188: {  	[bflag:$0x0] =	sbarrier.arrive $0xFFFF  }
0x189: {  	_ =	strace $0x9000004A  }
0x18a: {  	s0 =	stileid.u32;
	[bflag:$0x2] =	sbarrier.arrive $0xFFFF  }
0x18b: {  	p0 =	sne.s32 s0, $0x0;
	s0 =	rddreg [dreg:$0x1]  }
0x18c: {  	s0 =	sadd.s32 @!p0 $0x100000, s0  }
0x18d: {  	[sflag:s0] =	ssyncadd.tile.s32 @!p0 $0x1;
	_ =	shalt  }
.Lfunc_end2:
_tile_overlayer_lowered:
.L_overlay_start_2:
0x18e: {  	(tag) =	ssettag $0x2  }
0x18f: {  	s0 =	rddreg [dreg:$0x0];
	s2 =	stileid.u32  }
0x190: {  	s1 =	rddreg [dreg:$0x1];
	p0 =	sne.s32 s2, $0x0  }
0x191: {  	s3 =	rddreg [dreg:$0x2];
	[bflag:$0x3] =	sbarrier.arrive $0xFFFF;
	s2 =	simm.s32 @!p0 $0x1C05  }
0x192: {  	[timem:s3], [sflag:s2] =	dma.local @!p0 [hbm:s0], s1  }
0x193: {  	s0 =	simm.s32 @!p0 $0x5  }
0x194: {  	_ =	swait.ge @!p0 [sflag:s0], s1  }
0x195: {  	s1 =	ssub.s32 @!p0 $0x0, s1;
	[sflag:s0] =	ssyncset.done @!p0 $0x0  }
0x196: {  	[sflag:s0] =	ssyncadd.s32 @!p0 s1  }
0x197: {  	[bflag:$0x3] =	sbarrier.arrive $0xFFFF  }
0x198: {  	_ =	shalt  }

// kernel: sparse-core-data-format-call.cloned.1.call-start
scs
called_computation_lowered:
.L_overlay_start_0:
0x0: {  	s2 =	sld [smem:$0x3FD9]  }
0x1: {  	s3 =	sld [smem:$0x3FFE];
	_ =	sdelay $0x1  }
0x2: {  	s1 =	srdreg.scid  }
0x3: {  	s0 =	sand.u32 $0x1, s1  }
0x4: {  	s18 =	sshll.u32 s0, $0xA;
	s2 =	sadd.s32 s3, s2  }
0x5: {  	s2 =	sadd.s32 s2, s18  }
0x6: {  	[smem:$0x3FBE] =	sst s2  }
0x7: {  	_ = 	snop  }
0x8: {  	s2 =	sld [smem:$0x3FC8];
	(tm) =	ssettm $0x1  }
0x9: {  	s19 =	sld [smem:$0x3FFB];
	_ =	sdelay $0x3  }
0xa: {  	_ =	strace s19  }
0xb: {  	s3 =	sld [smem:$0x3FFC];
	_ =	sdelay $0x3  }
0xc: {  	_ =	strace s3  }
0xd: {  	s3 =	sld [smem:$0x3FFD];
	_ =	sdelay $0x3  }
0xe: {  	_ =	strace s3  }
0xf: {  	_ =	strace $0x8FFFFFFF  }
0x10: {  	s20 =	sld [smem:$0x3FDB];
	_ =	sdelay $0x1  }
0x11: {  	s4 =	simm.s32 $_scs_section_size  }
0x12: {  	s5 =	simm.s32 $_size__tile_overlayer_lowered;
	s6 =	simm.s32 $_tile_overlayer_lowered  }
0x13: {  	s23 =	simm.s32 $0x1BFF;
	s22 =	sshll.u32 s6, $0x1;
	s3 =	sadd.s32 s4, s20  }
0x14: {  	s7 =	simm.s32 $0x0;
	s21 =	sshll.u32 s5, $0x1;
	s5 =	sadd.s32 s22, s3  }
0x15: {  	[timem:s7], [sflag:s23] =	dma.local [hbm:s5], s21  }
0x16: {  	_ =	swait.ge [sflag:s23], s21  }
0x17: {  	s4 =	ssub.s32 $0x0, s21;
	[sflag:s23] =	ssyncset.done $0x0  }
0x18: {  	[sflag:s23] =	ssyncadd.s32 s4;
	_ =	sdelay $0x1  }
0x19: {  	s24 =	simm.s32 $0x1B8B  }
0x1a: {  	_ =	swait.ge [sflag:s24], $0x1  }
0x1b: {  	[sflag:s24] =	ssyncset.done $0x0  }
0x1c: {  	s26 =	simm.s32 $0x1B8E;
	s25 =	sld [smem:$0x3FFE];
	[sflag:s24] =	ssyncadd.s32 $0xFFFFFFFF  }
0x1d: {  	s27 =	simm.s32 $execute0_lowered;
	[smem:$0x3FD2] =	sst s26  }
0x1e: {  	s5 =	sshll.u32 s27, $0x1;
	_ =	strace $0x80000046;
	[dreg:$0x1] =	wrdreg $0xFFFFFFFF  }
0x1f: {  	s28 =	simm.s32 $_size_execute0_lowered;
	s3 =	sadd.s32 s3, s5;
	[dreg:$0x0] =	wrdreg $0x0  }
0x20: {  	s5 =	sshll.u32 s28, $0x1;
	[dreg:$0x2] =	wrdreg s3  }
0x21: {  	[dreg:$0x3] =	wrdreg s5  }
0x22: {  	[dreg:$0x4] =	wrdreg $0xC0  }
0x23: {  	_ =	task [dreg:s7], $0x5FFFF  }
0x24: {  	[dreg:$0x1] =	wrdreg $0xFFFFFFFF  }
0x25: {  	[dreg:$0x0] =	wrdreg $0x60  }
0x26: {  	[dreg:$0x2] =	wrdreg s2  }
0x27: {  	[dreg:$0x3] =	wrdreg s25  }
0x28: {  	[dreg:$0x4] =	wrdreg $0x9  }
0x29: {  	_ =	task.clear_ibuf [dreg:s7], $0x5FFFF;
	_ =	strace $0x90000046  }
0x2a: {  	s29 =	simm.s32 $0x9;
	_ =	strace $0x80000048  }
0x2b: {  	_ =	swait.ge [sflag:s29], $0x1  }
0x2c: {  	[sflag:s29] =	ssyncadd.s32 $0xFFFFFFFF  }
0x2d: {  	_ =	strace $0x90000048  }
0x2e: {  	_ =	sfence  }
0x2f: {  	s30 =	sld [smem:$0x0];
	_ =	sdelay $0x2  }
0x30: {  	s31 =	sshll.u32 s1, $0xD;
	s1 =	sshrl.u32 s1, $0x2  }
0x31: {  	s3 =	sand.u32 $0x4000, s31;
	s1 =	sadd.s32 s1, s30  }
0x32: {  	s0 =	sor.u32 s3, s0;
	s1 =	sshll.u32 s1, $0x11  }
0x33: {  	s0 =	sor.u32 s1, s0  }
0x34: {  	s0 =	sadd.s32 $0x8F2B, s0  }
0x35: {  	[sflag:s0] =	ssyncadd.remote.s32 $0x1  }
0x36: {  	_ =	sfence.sel $0xFFFF  }
0x37: {  	[dreg:$0x0] =	wrdreg $0xFFFFFFFF;
	(pc) =	sbr.abs _section_cstart, $3  }
0x38: {  	[dreg:$0x1] =	wrdreg $0xFFFFFFFF  }
0x39: {  	_ =	task.clear_ibuf [dreg:s7], $0x2FFFF;
	_ =	strace $0x9FFFFFFF  }
0x3a: {  	(tm) =	ssettm $0x7FFFFFFF  }
0x3b: {  	_ =	shalt  }
tec
execute0_lowered:
.L_overlay_start_1:
0x0: {  	(tag) =	ssettag $0x1  }
0x1: {  	s2 =	rddreg [dreg:$0x0]  }
0x2: {  	s0 =	srdreg.scid;
	s5 =	rddreg [dreg:$0x1]  }
0x3: {  	s31 =	simm.s32 $0x2;
	s16 =	simm.s32 $0x0;
	p0 =	por $0x0, $0x0  }
0x4: {  	s8 =	simm.s32 $0x80;
	s17 =	simm.s32 $0x0;
	s1 =	sshll.u32 s0, $0x4  }
0x5: {  	s18 =	simm.s32 $0x0;
	s0 =	stileid.u32;
	s1 =	sand.u32 $0x10, s1  }
0x6: {  	s9 =	simm.s32 $0x0;
	s10 =	simm.s32 $0x0;
	s1 =	sor.u32 s0, s1  }
0x7: {  	s11 =	simm.s32 $0x0;
	s13 =	simm.s32 $0x0;
	s3 =	sshll.u32 s1, $0x8  }
.Ltmp0:
0x8: {  	s14 =	simm.s32 $0x0;
	s4 =	ssub.s32 $0x18600, s3;
	(pc) =	sbr.rel .LBB1_1-.Ltmp0, $4  }
0x9: {  	s15 =	simm.s32 $0x0;
	s1 =	rddreg [dreg:$0x2];
	s6 =	sshrl.u32 s4, $0xD  }
0xa: {  	_ =	strace $0x80000047;
	s4 =	simm.s32 $0x1;
	s7 =	smul.u32 $0x1A, s6  }
0xb: {  	s5 =	sadd.s32 $0x2E00, s5;
	s12 =	smov.u32 s3;
	[sflag:s4] =	ssyncpa.u1 $0x0  }
0xc: {  	[sflag:s31] =	ssyncpa.u1 $0x0;
	s6 =	sadd.s32 $0x1A, s7;
	s7 =	sadd.s32 $0x1B, s7  }
.LBB1_5:
0xd: {  	p1 =	slt.u32 s15, $0x2  }
0xe: {  	s19 =	smov.u32 s18;
	p2 =	sgt.s32 @!p1 s18, $0x19  }
0xf: {  	s20 =	sshra.s32 @!p1 s18, $0x1F;
	p3 =	sgt.s32 @!p1 s16, $0x185A0;
	p4 =	sgt.s32 @!p1 s17, $0x70  }
0x10: {  	s21 =	sshra.s32 @!p1 s17, $0x1F;
	p2 =	por !p2, p1;
	s18 =	sand.u32 @!p1 s20, s18  }
0x11: {  	p4 =	por !p4, p1;
	s20 =	smov.u32 s17;
	s19 =	simm.s32 @p2 $0x19  }
0x12: {  	s17 =	sand.u32 @!p1 s21, s17;
	s20 =	simm.s32 @p4 $0x70;
	s18 =	ssub.s32 @!p1 s19, s18  }
0x13: {  	p3 =	por !p3, p1;
	s17 =	ssub.s32 @!p1 s20, s17;
	s19 =	sadd.s32 @!p1 $0xFFFFFFE7, s18  }
0x14: {  	s20 =	sshra.s32 @!p1 s16, $0x1F;
	s18 =	ssub.s32 @!p1 $0x1A, s18;
	p2 =	sgt.s32 @!p1 s19, $0x0  }
0x15: {  	s19 =	smov.u32 s16;
	s16 =	sand.u32 @!p1 s20, s16;
	s20 =	sadd.s32 @!p1 $0xFFFFFF90, s17  }
0x16: {  	s17 =	ssub.s32 @!p1 $0x80, s17;
	s19 =	simm.s32 @p3 $0x185A0;
	p2 =	por !p2, p1  }
0x17: {  	s18 =	simm.s32 @!p2 $0x0;
	s16 =	ssub.s32 @!p1 s19, s16;
	p2 =	sgt.s32 @!p1 s20, $0xF  }
0x18: {  	s20 =	smov.u32 s13;
	s19 =	sadd.s32 @!p1 $0xFFFE7A60, s16;
	p2 =	por !p2, p1  }
0x19: {  	s16 =	ssub.s32 @!p1 $0x186A0, s16;
	s17 =	simm.s32 @!p2 $0x0;
	p2 =	sgt.s32 @!p1 s19, $0xFF  }
0x1a: {  	s19 =	sadd.s32 $0x2000, s12;
	p2 =	por !p2, p1;
	s17 =	smul.u32 @!p1 s18, s17  }
0x1b: {  	s18 =	sadd.s32 $0x10, s13;
	s16 =	simm.s32 @!p2 $0x0;
	p2 =	sgt.s32 s19, $0x1869F  }
0x1c: {  	s16 =	smul.u32 @!p1 s16, s17;
	s20 =	smov.u32 @p2 s18  }
0x1d: {  	s19 =	smov.u32 @p2 s3;
	s17 =	simm.s32 $0x1;
	p2 =	sgt.s32 s20, $0xF  }
0x1e: {  	s17 =	simm.s32 @!p2 $0x0  }
0x1f: {  	p0 =	por !p0, !p0;
	s23 =	sadd.s32 s17, s14  }
0x20: {  	s21 =	simm.s32 @!p1 $0x2;
	s20 =	simm.s32 @p2 $0x0;
	p2 =	sgt.s32 s23, $0x19  }
0x21: {  	s18 =	smov.u32 s11;
	s23 =	simm.s32 @p2 $0x0;
	p2 =	sne.s32 s15, s7  }
.Ltmp1:
0x22: {  	s11 =	smov.u32 s14;
	s16 =	sand.u32 @!p1 $0x3FFFFFFF, s16;
	(pc) =	sbr.rel @!p2 .LBB1_6-.Ltmp1, $4  }
0x23: {  	_ =	swait.ge @!p1 [sflag:s21], s16;
	s22 =	ssub.s32 @!p1 $0x0, s16;
	s16 =	smov.u32 s9  }
0x24: {  	s17 =	smov.u32 s10;
	s9 =	smov.u32 s12;
	s10 =	smov.u32 s13  }
0x25: {  	s12 =	smov.u32 s19;
	s13 =	smov.u32 s20;
	[sflag:s21] =	ssyncset.done @!p1 $0x0  }
0x26: {  	s15 =	sadd.s32 $0x1, s15;
	[sflag:s21] =	ssyncadd.s32 @!p1 s22;
	s14 =	smov.u32 s23  }
.LBB1_1:
0x27: {  	p1 =	sge.u32 s15, s6  }
0x28: {  	s19 =	sshrl.u32 @!p1 s13, $0x3  }
0x29: {  	s20 =	sshll.u32 @!p1 s12, $0x3;
	s19 =	smul.u32 @!p1 $0xC3800, s19  }
0x2a: {  	s21 =	sshll.u32 @!p1 s13, $0x7;
	s20 =	sand.u32 @!p1 $0xFFFFFC00, s20  }
0x2b: {  	s19 =	sadd.s32 @!p1 s19, s20;
	s20 =	sand.u32 @!p1 $0x380, s21  }
0x2c: {  	s21 =	sand.u32 @!p1 $0x7F, s12;
	s19 =	sor.u32 @!p1 s20, s19  }
0x2d: {  	s20 =	sor.u32 @!p1 s21, s19  }
0x2e: {  	s21 =	smulhi.u32 @!p1 $0xA79C7B17, s20  }
0x2f: {  	s19 =	smulhi.u32 @!p1 $0xA79C7B17, s19  }
0x30: {  	s21 =	sshrl.u32 @!p1 s21, $0x10  }
0x31: {  	s19 =	sshrl.u32 @!p1 s19, $0x10;
	s21 =	smul.u32 @!p1 $0x18700, s21  }
0x32: {  	s22 =	sxor.u32 @!p1 $0xFFFFFFFF, s15;
	s23 =	smul.u32 @!p1 $0x30E00, s14;
	s19 =	sand.u32 @!p1 $0xF, s19  }
0x33: {  	s22 =	sshll.u32 @!p1 s22, $0xC;
	s19 =	smul.u32 @!p1 $0x30E0, s19;
	s20 =	ssub.s32 @!p1 s20, s21  }
0x34: {  	s21 =	sand.u32 @!p1 $0x1000, s22;
	s22 =	sadd.s32 @!p1 s2, s23;
	s23 =	sand.u32 @!p1 $0x7, s20  }
0x35: {  	s20 =	sshrl.u32 @!p1 s20, $0x3;
	s19 =	sadd.s32 @!p1 s19, s22;
	s22 =	sshll.u32 @!p1 s23, $0x12  }
0x36: {  	s19 =	sadd.s32 @!p1 s20, s19;
	s20 =	sor.u32 @!p1 $0x800, s22;
	s22 =	simm.s32 @!p1 $0xC3800  }
0x37: {  	[tilespmem:s21], [sflag:$0x1] =	stream.strided.gather @!p1 [hbm4b:s19+s20], $0x1000, s22, s20, $0x38;
	[tilespmem:$0x4200] =	vst v63  }
0x38: {  	p1 =	seq.s32 s15, $0x0  }
0x39: {  	p2 =	sge.u32 @!p1 s15, s7  }
0x3a: {  	p1 =	por p1, p2  }
.Ltmp2:
0x3b: {  	_ = 	snop;
	(pc) =	sbr.rel @p1 .LBB1_5-.Ltmp2, $1  }
0x3c: {  	_ =	sdelay $0x3  }
0x3d: {  	s21 =	simm.s32 $0x0  }
0x3e: {  	s22 =	sand.u32 $0x800, s21;
	s23 =	sand.u32 $0x380, s21  }
0x3f: {  	s19 =	sand.u32 $0x1, s15;
	s23 =	sor.u32 s23, s22  }
0x40: {  	_ =	swait.ge [sflag:s4], $0x1000;
	s20 =	sshll.u32 s19, $0xC;
	s22 =	sand.u32 $0xB00, s23  }
0x41: {  	[sflag:s4] =	ssyncset.done $0x0;
	s21 =	sand.u32 $0x80, s21;
	s22 =	sadd.s32 s22, s20  }
0x42: {  	[sflag:s4] =	ssyncadd.s32 $0xFFFFF000;
	s25 =	sadd.s32 s21, s22  }
0x43: {  	v4 =	vld [tilespmem:s25+$0x400]  }
0x44: {  	s24 =	simm.s32 $0x1;
	v5 =	vld [tilespmem:s25+$0x0]  }
0x45: {  	s24 =	simm.s32 @!p0 $0x0;
	v6 =	vld [tilespmem:s25+$0x10]  }
0x46: {  	v0 =	vmov s20;
	s31 =	smul.u32 $0x4400, s24;
	v7 =	vld [tilespmem:s25+$0x20]  }
0x47: {  	v9 =	vld [tilespmem:s25+$0x30]  }
0x48: {  	s21 =	sshrl.u32 s31, $0x2;
	v10 =	vld [tilespmem:s25+$0x40]  }
0x49: {  	s21 =	sor.u32 $0x2000, s21;
	v11 =	vld [tilespmem:s25+$0x50]  }
0x4a: {  	v8 =	vld [tilespmem:s25+$0x60];
	s22 =	sadd.s32 $0x0, s21  }
0x4b: {  	v1 =	vld.idx.msk [tilespmem:v0+s23+$0x410 ss:$0x1], $0xffff;
	[tilespmem:s22+$0x880 ss:$0x11] =	vst.msk $0xffff, v4  }
0x4c: {  	v2 =	vld.idx.msk [tilespmem:v0+s23+$0x420 ss:$0x1], $0xffff;
	[tilespmem:s22+$0x0 ss:$0x11] =	vst.msk $0xffff, v5  }
0x4d: {  	v3 =	vld.idx.msk [tilespmem:v0+s23+$0x430 ss:$0x1], $0xffff;
	[tilespmem:s22+$0x110 ss:$0x11] =	vst.msk $0xffff, v6  }
0x4e: {  	s19 =	smul.u32 $0x4400, s19;
	[tilespmem:s22+$0x220 ss:$0x11] =	vst.msk $0xffff, v7;
	v7 =	vld [tilespmem:s25+$0x70]  }
0x4f: {  	s26 =	simm.s32 $0x80;
	s27 =	simm.s32 $0x8;
	[tilespmem:s22+$0x330 ss:$0x11] =	vst.msk $0xffff, v9;
	v4 =	vld.idx.msk [tilespmem:v0+s23+$0x440 ss:$0x1], $0xffff  }
0x50: {  	s29 =	sand.u32 $0x380, s26;
	s19 =	sshrl.u32 s19, $0x2;
	[tilespmem:s22+$0x440 ss:$0x11] =	vst.msk $0xffff, v10;
	v5 =	vld.idx.msk [tilespmem:v0+s23+$0x450 ss:$0x1], $0xffff;
	s25 =	simm.s32 $0x100  }
0x51: {  	s24 =	simm.s32 $0x4;
	s19 =	sor.u32 $0x2000, s19;
	[tilespmem:s22+$0x550 ss:$0x11] =	vst.msk $0xffff, v11;
	v6 =	vld.idx.msk [tilespmem:v0+s23+$0x460 ss:$0x1], $0xffff;
	s28 =	sand.u32 $0x800, s25  }
.LBB1_3:
0x52: {  	p1 =	sne.s32 s27, $0x3C;
	[tilespmem:s22+$0x660 ss:$0x11] =	vst.msk $0xffff, v8;
	v8 =	vld.idx.msk [tilespmem:v0+s23+$0x470 ss:$0x1], $0xffff;
	s23 =	sor.u32 s29, s28  }
0x53: {  	s28 =	sand.u32 $0xB00, s23;
	v9 =	vld.idx.msk [tilespmem:v0+s23+$0x410 ss:$0x1], $0xffff;
	[tilespmem:s22+$0x770 ss:$0x11] =	vst.msk $0xffff, v7  }
0x54: {  	s29 =	sand.u32 $0x80, s26;
	s28 =	sadd.s32 s28, s20;
	v7 =	vld.idx.msk [tilespmem:v0+s23+$0x420 ss:$0x1], $0xffff;
	[tilespmem:s22+$0x990 ss:$0x11] =	vst.msk $0xffff, v1  }
0x55: {  	s28 =	sadd.s32 s29, s28;
	v10 =	vld.idx.msk [tilespmem:v0+s23+$0x430 ss:$0x1], $0xffff;
	[tilespmem:s22+$0xAA0 ss:$0x11] =	vst.msk $0xffff, v2  }
0x56: {  	v11 =	vld [tilespmem:s28+$0x400];
	[tilespmem:s22+$0xBB0 ss:$0x11] =	vst.msk $0xffff, v3  }
0x57: {  	v12 =	vld [tilespmem:s28+$0x0];
	[tilespmem:s22+$0xCC0 ss:$0x11] =	vst.msk $0xffff, v4  }
0x58: {  	v4 =	vld [tilespmem:s28+$0x10];
	[tilespmem:s22+$0xDD0 ss:$0x11] =	vst.msk $0xffff, v5  }
0x59: {  	s29 =	sshra.s32 s24, $0x2;
	s24 =	smov.u32 s27;
	v1 =	vmov v9;
	v5 =	vld [tilespmem:s28+$0x20];
	[tilespmem:s22+$0xEE0 ss:$0x11] =	vst.msk $0xffff, v6  }
0x5a: {  	v2 =	vmov v7;
	v6 =	vld [tilespmem:s28+$0x30];
	[tilespmem:s22+$0xFF0 ss:$0x11] =	vst.msk $0xffff, v8;
	s22 =	sadd.s32 s29, s21  }
0x5b: {  	v3 =	vmov v10;
	v9 =	vld [tilespmem:s28+$0x40];
	[tilespmem:s22+$0x880 ss:$0x11] =	vst.msk $0xffff, v11  }
0x5c: {  	[tilespmem:s22+$0x0 ss:$0x11] =	vst.msk $0xffff, v12;
	v10 =	vld [tilespmem:s28+$0x50]  }
.Ltmp3:
0x5d: {  	[tilespmem:s22+$0x110 ss:$0x11] =	vst.msk $0xffff, v4;
	v8 =	vld [tilespmem:s28+$0x60];
	(pc) =	sbr.rel @p1 .LBB1_3-.Ltmp3, $4  }
0x5e: {  	[tilespmem:s22+$0x220 ss:$0x11] =	vst.msk $0xffff, v5;
	v7 =	vld [tilespmem:s28+$0x70]  }
0x5f: {  	[tilespmem:s22+$0x330 ss:$0x11] =	vst.msk $0xffff, v6;
	v4 =	vld.idx.msk [tilespmem:v0+s23+$0x440 ss:$0x1], $0xffff  }
0x60: {  	s26 =	sadd.s32 $0x80, s26;
	s25 =	sadd.s32 $0x100, s25;
	[tilespmem:s22+$0x440 ss:$0x11] =	vst.msk $0xffff, v9;
	v5 =	vld.idx.msk [tilespmem:v0+s23+$0x450 ss:$0x1], $0xffff  }
0x61: {  	s27 =	sadd.s32 $0x4, s27;
	s29 =	sand.u32 $0x380, s26;
	s28 =	sand.u32 $0x800, s25;
	[tilespmem:s22+$0x550 ss:$0x11] =	vst.msk $0xffff, v10;
	v6 =	vld.idx.msk [tilespmem:v0+s23+$0x460 ss:$0x1], $0xffff  }
0x62: {  	_ =	sdelay $0x3  }
0x63: {  	s25 =	sor.u32 s29, s28;
	v47 =	vld.idx.msk [tilespmem:v0+s23+$0x470 ss:$0x1], $0xffff  }
0x64: {  	[tilespmem:s22+$0x660 ss:$0x11] =	vst.msk $0xffff, v8;
	v57 =	vld.idx.msk [tilespmem:v0+s25+$0x410 ss:$0x1], $0xffff  }
0x65: {  	[tilespmem:s22+$0x990 ss:$0x11] =	vst.msk $0xffff, v1;
	v58 =	vld.idx.msk [tilespmem:v0+s25+$0x420 ss:$0x1], $0xffff  }
0x66: {  	[tilespmem:s22+$0xAA0 ss:$0x11] =	vst.msk $0xffff, v2;
	v59 =	vld.idx.msk [tilespmem:v0+s25+$0x430 ss:$0x1], $0xffff  }
0x67: {  	[tilespmem:s22+$0xBB0 ss:$0x11] =	vst.msk $0xffff, v3;
	v60 =	vld.idx.msk [tilespmem:v0+s25+$0x440 ss:$0x1], $0xffff  }
0x68: {  	s26 =	sand.u32 $0x80, s26;
	s27 =	sand.u32 $0xB00, s25;
	[tilespmem:s22+$0x770 ss:$0x11] =	vst.msk $0xffff, v7;
	v61 =	vld.idx.msk [tilespmem:v0+s25+$0x450 ss:$0x1], $0xffff  }
0x69: {  	s29 =	sshll.u32 s10, $0x3;
	p1 =	sgt.s32 s11, $0x19;
	v62 =	vld.idx.msk [tilespmem:v0+s25+$0x460 ss:$0x1], $0xffff;
	s20 =	sadd.s32 s27, s20;
	[tilespmem:s22+$0xCC0 ss:$0x11] =	vst.msk $0xffff, v4  }
0x6a: {  	p2 =	sgt.s32 s10, $0x70;
	s31 =	sand.u32 $0xFFFFFC00, s29;
	v63 =	vld.idx.msk [tilespmem:v0+s25+$0x470 ss:$0x1], $0xffff;
	s23 =	sadd.s32 s26, s20;
	[tilespmem:s22+$0xDD0 ss:$0x11] =	vst.msk $0xffff, v5  }
0x6b: {  	s24 =	sshra.s32 s24, $0x2;
	s29 =	sshra.s32 s11, $0x1F;
	s25 =	smul.u32 $0x186A00, s11;
	v48 =	vld [tilespmem:s23+$0x400];
	[tilespmem:s22+$0xEE0 ss:$0x11] =	vst.msk $0xffff, v6  }
0x6c: {  	s26 =	sshll.u32 s9, $0x7;
	s20 =	sadd.s32 s24, s21;
	s24 =	sand.u32 s29, s11;
	v49 =	vld [tilespmem:s23+$0x0];
	[tilespmem:s22+$0xFF0 ss:$0x11] =	vst.msk $0xffff, v47  }
0x6d: {  	s29 =	sshra.s32 s9, $0x1F;
	v50 =	vld [tilespmem:s23+$0x10];
	s30 =	sand.u32 $0xFFFFFC00, s26;
	s28 =	sand.u32 $0x380, s26;
	[tilespmem:s20+$0x990 ss:$0x11] =	vst.msk $0xffff, v57  }
0x6e: {  	v51 =	vld [tilespmem:s23+$0x20];
	s27 =	sadd.s32 s31, s30;
	s22 =	smov.u32 s11;
	s31 =	sshra.s32 s10, $0x1F;
	[tilespmem:s20+$0xAA0 ss:$0x11] =	vst.msk $0xffff, v58  }
0x6f: {  	v52 =	vld [tilespmem:s23+$0x30];
	s21 =	sor.u32 s28, s27;
	s22 =	simm.s32 @!p1 $0x19;
	s28 =	sand.u32 s31, s10;
	[tilespmem:s20+$0xBB0 ss:$0x11] =	vst.msk $0xffff, v59  }
0x70: {  	v53 =	vld [tilespmem:s23+$0x40];
	s27 =	smov.u32 s9;
	[tilespmem:s20+$0xCC0 ss:$0x11] =	vst.msk $0xffff, v60;
	s21 =	sshrl.u32 s21, $0x7;
	s22 =	ssub.s32 s22, s24  }
0x71: {  	v54 =	vld [tilespmem:s23+$0x50];
	[tilespmem:s20+$0xDD0 ss:$0x11] =	vst.msk $0xffff, v61;
	s24 =	smov.u32 s10;
	s26 =	smulhi.u32 $0x14F8B59, s21;
	s30 =	sadd.s32 $0xFFFFFFE7, s22  }
0x72: {  	v55 =	vld [tilespmem:s23+$0x60];
	[tilespmem:s20+$0xEE0 ss:$0x11] =	vst.msk $0xffff, v62;
	s24 =	simm.s32 @!p2 $0x70;
	p2 =	sgt.s32 s9, $0x185A0;
	s22 =	ssub.s32 $0x1A, s22  }
0x73: {  	v56 =	vld [tilespmem:s23+$0x70];
	[tilespmem:s20+$0xFF0 ss:$0x11] =	vst.msk $0xffff, v63;
	p1 =	sgt.s32 s30, $0x0;
	s23 =	ssub.s32 s24, s28;
	s27 =	simm.s32 @!p2 $0x185A0  }
0x74: {  	[tilespmem:s20+$0x880 ss:$0x11] =	vst.msk $0xffff, v48;
	s24 =	sand.u32 s29, s9;
	s28 =	sand.u32 $0x7, s10;
	s26 =	sshrl.u32 s26, $0x9  }
0x75: {  	[tilespmem:s20+$0x0 ss:$0x11] =	vst.msk $0xffff, v49;
	s24 =	ssub.s32 s27, s24;
	s30 =	sadd.s32 $0xFFFFFF90, s23;
	s22 =	simm.s32 @p1 $0x0  }
0x76: {  	[tilespmem:s20+$0x110 ss:$0x11] =	vst.msk $0xffff, v50;
	s23 =	ssub.s32 $0x80, s23;
	s27 =	sshrl.u32 s10, $0x3;
	p1 =	sgt.s32 s30, $0xF  }
0x77: {  	[tilespmem:s20+$0x220 ss:$0x11] =	vst.msk $0xffff, v51;
	s26 =	smul.u32 $0x186A0, s26;
	s31 =	sadd.s32 $0xFFFE7A60, s24;
	s23 =	simm.s32 @p1 $0x0  }
0x78: {  	[tilespmem:s20+$0x330 ss:$0x11] =	vst.msk $0xffff, v52;
	s24 =	ssub.s32 $0x186A0, s24;
	p1 =	sgt.s32 s31, $0xFF;
	s22 =	smul.u32 s22, s23  }
.Ltmp4:
0x79: {  	[tilespmem:s20+$0x440 ss:$0x11] =	vst.msk $0xffff, v53;
	s24 =	simm.s32 @p1 $0x0;
	s21 =	ssub.s32 s21, s26;
	(pc) =	sbr.rel .LBB1_5-.Ltmp4, $4  }
0x7a: {  	[tilespmem:s20+$0x550 ss:$0x11] =	vst.msk $0xffff, v54;
	s23 =	sadd.s32 s5, s25;
	s22 =	smul.u32 s24, s22;
	s24 =	sand.u32 $0xF, s27  }
0x7b: {  	[tilespmem:s20+$0x660 ss:$0x11] =	vst.msk $0xffff, v55;
	s29 =	sshll.u32 s28, $0x12;
	s21 =	sshll.u32 s21, $0x4;
	s23 =	sadd.s32 s24, s23  }
0x7c: {  	[tilespmem:s20+$0x770 ss:$0x11] =	vst.msk $0xffff, v56;
	s31 =	sor.u32 $0x10, s29;
	s30 =	sand.u32 $0x3FFFFFFF, s22;
	s21 =	sadd.s32 s21, s23  }
0x7d: {  	[hbm4b:s21+s31] =	stream.strided.scatter [tilespmem:s19], [sflag:$0x2], s30, s8, s31, $0x8;
	[tilespmem:$0x4200] =	vst v63  }
.LBB1_6:
0x7e: {  	_ =	sfence.sel $0x180000  }
0x7f: {  	s2 =	simm.s32 $0x1;
	[bflag:$0x0] =	sbarrier.arrive $0xFFFF  }
0x80: {  	s31 =	simm.s32 $0x2;
	[sflag:s2] =	ssyncpa.u1 $0x1  }
0x81: {  	[sflag:s31] =	ssyncpa.u1 $0x1  }
0x82: {  	p0 =	sne.s32 s0, $0x0;
	_ =	strace $0x90000047  }
0x83: {  	s0 =	sadd.s32 @!p0 $0x100000, s1;
	[bflag:$0x2] =	sbarrier.arrive $0xFFFF  }
0x84: {  	[sflag:s0] =	ssyncadd.tile.s32 @!p0 $0x1;
	_ =	shalt  }
.Lfunc_end1:
_tile_overlayer_lowered:
.L_overlay_start_2:
0x85: {  	(tag) =	ssettag $0x2  }
0x86: {  	s0 =	rddreg [dreg:$0x0];
	s2 =	stileid.u32  }
0x87: {  	s1 =	rddreg [dreg:$0x1];
	p0 =	sne.s32 s2, $0x0  }
0x88: {  	s3 =	rddreg [dreg:$0x2];
	[bflag:$0x3] =	sbarrier.arrive $0xFFFF;
	s2 =	simm.s32 @!p0 $0x1C01  }
0x89: {  	[timem:s3], [sflag:s2] =	dma.local @!p0 [hbm:s0], s1  }
0x8a: {  	s0 =	simm.s32 @!p0 $0x1  }
0x8b: {  	_ =	swait.ge @!p0 [sflag:s0], s1  }
0x8c: {  	s1 =	ssub.s32 @!p0 $0x0, s1;
	[sflag:s0] =	ssyncset.done @!p0 $0x0  }
0x8d: {  	[sflag:s0] =	ssyncadd.s32 @!p0 s1  }
0x8e: {  	[bflag:$0x3] =	sbarrier.arrive $0xFFFF  }
0x8f: {  	_ =	shalt  }

</sc_bundles>
